<compile_context>
chip_gen: v7x
topology: tpu7x:2x2x1
jax: 0.10.2.dev20260603
libtpu: 0.0.44.dev20260713+nightly
codegen_flags: <defaults>
</compile_context>

<pallas_src>
import functools

import jax
import jax.numpy as jnp
from jax import lax
from jax.experimental import pallas as pl
from jax.experimental.pallas import tpu as pltpu
from jax.experimental.pallas import tpu_sc as plsc


@functools.lru_cache(maxsize=None)
def _make_gather(V, D, B):
    info = plsc.get_sparse_core_info()
    NC, NS = info.num_cores, info.num_subcores
    NW = NC * NS
    assert D % info.num_lanes == 0 and B % (8 * NW) == 0
    b_per_w = B // NW
    mesh = plsc.VectorSubcoreMesh(core_axis_name="c", subcore_axis_name="s")

    n_chunks = 8
    C = b_per_w // n_chunks

    stage_rows = 64
    n_full = V // stage_rows
    rem = V - n_full * stage_rows

    @functools.partial(
        pl.kernel, mesh=mesh,
        out_type=jax.ShapeDtypeStruct((B, D), jnp.float32),
        scratch_types=[
            pltpu.VMEM((b_per_w,), jnp.int32),
            pltpu.VMEM((n_chunks, C, D), jnp.float32),
            pltpu.VMEM_SHARED((V, D), jnp.float32),
            pltpu.SemaphoreType.DMA((n_chunks,)),
            pltpu.SemaphoreType.DMA((n_chunks,)),
            pltpu.SemaphoreType.DMA,
        ],
    )
    def k(table_hbm, idx_hbm, out_hbm, idx_v, rows_v, table_sp, gsem, osem,
          isem):
        cid = lax.axis_index("c")
        sid = lax.axis_index("s")
        wid = sid * NC + cid
        base = wid * b_per_w
        idx_cp = pltpu.async_copy(idx_hbm.at[pl.ds(base, b_per_w)], idx_v, isem)
        for s in range(n_full):
            @pl.when(sid == s)
            def _():
                pltpu.sync_copy(
                    table_hbm.at[pl.ds(s * stage_rows, stage_rows)],
                    table_sp.at[pl.ds(s * stage_rows, stage_rows)])
        if rem:
            @pl.when(sid == n_full % NS)
            def _():
                pltpu.sync_copy(
                    table_hbm.at[pl.ds(n_full * stage_rows, rem)],
                    table_sp.at[pl.ds(n_full * stage_rows, rem)])
        plsc.subcore_barrier()
        idx_cp.wait()
        gathers = [
            pltpu.async_copy(
                table_sp.at[idx_v.at[pl.ds(c * C, C)]], rows_v.at[c], gsem.at[c])
            for c in range(n_chunks)
        ]
        outs = []
        for c in range(n_chunks):
            gathers[c].wait()
            outs.append(pltpu.async_copy(
                rows_v.at[c], out_hbm.at[pl.ds(base + c * C, C)], osem.at[c]))
        for o in outs:
            o.wait()

    return k


def kernel(x, t, embeddings):
    V, D = embeddings.shape
    B = t.shape[0]
    out = _make_gather(V, D, B)(embeddings, t.astype(jnp.int32))
    return out[:, :, None, None]

# --- scband reference (transcript-rebuilt; emitter-appended) ---
"""Pipeline reference for scband-sinusoidal-embeddings-89335319756924 (READ-ONLY COPY).

The authoritative reference and input builder live on the scoring server;
editing this copy changes nothing except your own understanding.
"""

import jax, jax.numpy as jnp
import numpy as np
import math


def _build_embeddings(time_steps, embed_dim):
    position = jnp.arange(time_steps, dtype=jnp.float32)[:, None]
    div = jnp.exp(jnp.arange(0, embed_dim, 2, dtype=jnp.float32) * -(math.log(10000.0) / embed_dim))
    emb = jnp.zeros((time_steps, embed_dim), dtype=jnp.float32)
    emb = emb.at[:, 0::2].set(jnp.sin(position * div))
    emb = emb.at[:, 1::2].set(jnp.cos(position * div))
    return emb


def setup_inputs(seed: int = 0) -> dict:
    key = jax.random.key(seed)
    k1, k2 = jax.random.split(key)
    time_steps, embed_dim, batch = 1000, 128, 16384
    x = jax.random.normal(k1, (batch, embed_dim), dtype=jnp.float32)
    t = jax.random.randint(k2, (batch,), 0, time_steps)
    embeddings = _build_embeddings(time_steps, embed_dim)
    return {"x": x, "t": t, "embeddings": embeddings}


def reference(x, t, embeddings):
    # embeds = self.embeddings[t]; return embeds[:, :, None, None]
    embeds = jnp.take(embeddings, t, axis=0)
    return embeds[:, :, None, None]

if __name__ == "__main__":
    import jax
    _d = setup_inputs()
    print(jax.jit(kernel)(*tuple(_d.values())))

</pallas_src>

<mosaic_0001>
#map = affine_map<(d0, d1) -> (0, 0)>
#map1 = affine_map<(d0, d1) -> (0)>
module attributes {stable_mosaic.version = 14 : i64} {
  func.func @k(%arg0: i32, %arg1: i32, %arg2: memref<1000x128xf32, #tpu.memory_space<hbm>>, %arg3: memref<16384xi32, #tpu.memory_space<hbm>>, %arg4: memref<16384x128xf32, #tpu.memory_space<hbm>>, %arg5: memref<512xi32, #tpu.memory_space<vmem>>, %arg6: memref<8x64x128xf32, #tpu.memory_space<vmem>>, %arg7: memref<1000x128xf32, #tpu.memory_space<vmem_shared>>, %arg8: memref<8x!tpu.dma_semaphore, #tpu.memory_space<semaphore_mem>>, %arg9: memref<8x!tpu.dma_semaphore, #tpu.memory_space<semaphore_mem>>, %arg10: memref<!tpu.dma_semaphore, #tpu.memory_space<semaphore_mem>>) attributes {dimension_semantics = [#tpu.dimension_semantics<core_parallel>, #tpu.dimension_semantics<subcore_parallel>], iteration_bounds = array<i64: 2, 16>, scalar_prefetch = 0 : i64, scratch_operands = 6 : i64, tpu.core_type = #tpu.core_type<sc_vector_subcore>, window_params = [{transform_indices = #map}, {transform_indices = #map1}, {transform_indices = #map}]} {
    %mul3A = arith.constant 2 : i32
    %mul3A_0 = arith.muli %arg1, %mul3A : i32
    %add3A = arith.addi %mul3A_0, %arg0 : i32
    %mul3A_1 = arith.constant 512 : i32
    %mul3A_2 = arith.muli %add3A, %mul3A_1 : i32
    %dma_start3A = tpu.memref_slice %arg3[%mul3A_2] : memref<16384xi32, #tpu.memory_space<hbm>> -> memref<512xi32, #tpu.memory_space<hbm>>
    %dma_start3A_3 = tpu.memref_slice %arg3[%mul3A_2] : memref<16384xi32, #tpu.memory_space<hbm>> -> memref<512xi32, #tpu.memory_space<hbm>>
    tpu.enqueue_dma source(%dma_start3A_3 : memref<512xi32, #tpu.memory_space<hbm>>) target(%arg5 : memref<512xi32, #tpu.memory_space<vmem>>) target_semaphore(%arg10 : memref<!tpu.dma_semaphore, #tpu.memory_space<semaphore_mem>>)
    %eq3A = arith.constant 0 : i32
    %eq3A_4 = arith.cmpi eq, %arg1, %eq3A : i32
    %convert_element_type3A = arith.extui %eq3A_4 : i1 to i32
    %cond3A = arith.constant 0 : i32
    %cond3A_5 = arith.cmpi ne, %convert_element_type3A, %cond3A : i32
    scf.if %cond3A_5 {
      "tpu.region"() ({
        %run_scoped3A = tpu.sem_alloc : memref<!tpu.dma_semaphore, #tpu.memory_space<semaphore_mem>>
        %dma_start3A_562 = arith.constant 0 : i32
        %dma_start3A_563 = arith.constant 0 : i32
        %dma_start3A_564 = tpu.memref_slice %arg7[%dma_start3A_562, %dma_start3A_563] : memref<1000x128xf32, #tpu.memory_space<vmem_shared>> -> memref<64x128xf32, #tpu.memory_space<vmem_shared>>
        %dma_start3A_565 = arith.constant 0 : i32
        %dma_start3A_566 = arith.constant 0 : i32
        %dma_start3A_567 = tpu.memref_slice %arg2[%dma_start3A_565, %dma_start3A_566] : memref<1000x128xf32, #tpu.memory_space<hbm>> -> memref<64x128xf32, #tpu.memory_space<hbm>>
        tpu.enqueue_dma source(%dma_start3A_567 : memref<64x128xf32, #tpu.memory_space<hbm>>) target(%dma_start3A_564 : memref<64x128xf32, #tpu.memory_space<vmem_shared>>) target_semaphore(%run_scoped3A : memref<!tpu.dma_semaphore, #tpu.memory_space<semaphore_mem>>)
        %dma_wait3A_568 = arith.constant 0 : i32
        %dma_wait3A_569 = arith.constant 0 : i32
        %dma_wait3A_570 = tpu.memref_slice %arg7[%dma_wait3A_568, %dma_wait3A_569] : memref<1000x128xf32, #tpu.memory_space<vmem_shared>> -> memref<64x128xf32, #tpu.memory_space<vmem_shared>>
        %dma_wait3A_571 = arith.constant 0 : i32
        %dma_wait3A_572 = arith.constant 0 : i32
        %dma_wait3A_573 = tpu.memref_slice %arg2[%dma_wait3A_571, %dma_wait3A_572] : memref<1000x128xf32, #tpu.memory_space<hbm>> -> memref<64x128xf32, #tpu.memory_space<hbm>>
        tpu.wait_dma2 semaphore(%run_scoped3A : memref<!tpu.dma_semaphore, #tpu.memory_space<semaphore_mem>>) src(%dma_wait3A_573 : memref<64x128xf32, #tpu.memory_space<hbm>>) dst(%dma_wait3A_570 : memref<64x128xf32, #tpu.memory_space<vmem_shared>>)
        tpu.yield
      }) : () -> ()
    } else {
    }
    %eq3A_6 = arith.constant 1 : i32
    %eq3A_7 = arith.cmpi eq, %arg1, %eq3A_6 : i32
    %convert_element_type3A_8 = arith.extui %eq3A_7 : i1 to i32
    %cond3A_9 = arith.constant 0 : i32
    %cond3A_10 = arith.cmpi ne, %convert_element_type3A_8, %cond3A_9 : i32
    scf.if %cond3A_10 {
      "tpu.region"() ({
        %run_scoped3A = tpu.sem_alloc : memref<!tpu.dma_semaphore, #tpu.memory_space<semaphore_mem>>
        %dma_start3A_562 = arith.constant 64 : i32
        %dma_start3A_563 = arith.constant 0 : i32
        %dma_start3A_564 = tpu.memref_slice %arg7[%dma_start3A_562, %dma_start3A_563] : memref<1000x128xf32, #tpu.memory_space<vmem_shared>> -> memref<64x128xf32, #tpu.memory_space<vmem_shared>>
        %dma_start3A_565 = arith.constant 64 : i32
        %dma_start3A_566 = arith.constant 0 : i32
        %dma_start3A_567 = tpu.memref_slice %arg2[%dma_start3A_565, %dma_start3A_566] : memref<1000x128xf32, #tpu.memory_space<hbm>> -> memref<64x128xf32, #tpu.memory_space<hbm>>
        tpu.enqueue_dma source(%dma_start3A_567 : memref<64x128xf32, #tpu.memory_space<hbm>>) target(%dma_start3A_564 : memref<64x128xf32, #tpu.memory_space<vmem_shared>>) target_semaphore(%run_scoped3A : memref<!tpu.dma_semaphore, #tpu.memory_space<semaphore_mem>>)
        %dma_wait3A_568 = arith.constant 64 : i32
        %dma_wait3A_569 = arith.constant 0 : i32
        %dma_wait3A_570 = tpu.memref_slice %arg7[%dma_wait3A_568, %dma_wait3A_569] : memref<1000x128xf32, #tpu.memory_space<vmem_shared>> -> memref<64x128xf32, #tpu.memory_space<vmem_shared>>
        %dma_wait3A_571 = arith.constant 64 : i32
        %dma_wait3A_572 = arith.constant 0 : i32
        %dma_wait3A_573 = tpu.memref_slice %arg2[%dma_wait3A_571, %dma_wait3A_572] : memref<1000x128xf32, #tpu.memory_space<hbm>> -> memref<64x128xf32, #tpu.memory_space<hbm>>
        tpu.wait_dma2 semaphore(%run_scoped3A : memref<!tpu.dma_semaphore, #tpu.memory_space<semaphore_mem>>) src(%dma_wait3A_573 : memref<64x128xf32, #tpu.memory_space<hbm>>) dst(%dma_wait3A_570 : memref<64x128xf32, #tpu.memory_space<vmem_shared>>)
        tpu.yield
      }) : () -> ()
    } else {
    }
    %eq3A_11 = arith.constant 2 : i32
    %eq3A_12 = arith.cmpi eq, %arg1, %eq3A_11 : i32
    %convert_element_type3A_13 = arith.extui %eq3A_12 : i1 to i32
    %cond3A_14 = arith.constant 0 : i32
    %cond3A_15 = arith.cmpi ne, %convert_element_type3A_13, %cond3A_14 : i32
    scf.if %cond3A_15 {
      "tpu.region"() ({
        %run_scoped3A = tpu.sem_alloc : memref<!tpu.dma_semaphore, #tpu.memory_space<semaphore_mem>>
        %dma_start3A_562 = arith.constant 128 : i32
        %dma_start3A_563 = arith.constant 0 : i32
        %dma_start3A_564 = tpu.memref_slice %arg7[%dma_start3A_562, %dma_start3A_563] : memref<1000x128xf32, #tpu.memory_space<vmem_shared>> -> memref<64x128xf32, #tpu.memory_space<vmem_shared>>
        %dma_start3A_565 = arith.constant 128 : i32
        %dma_start3A_566 = arith.constant 0 : i32
        %dma_start3A_567 = tpu.memref_slice %arg2[%dma_start3A_565, %dma_start3A_566] : memref<1000x128xf32, #tpu.memory_space<hbm>> -> memref<64x128xf32, #tpu.memory_space<hbm>>
        tpu.enqueue_dma source(%dma_start3A_567 : memref<64x128xf32, #tpu.memory_space<hbm>>) target(%dma_start3A_564 : memref<64x128xf32, #tpu.memory_space<vmem_shared>>) target_semaphore(%run_scoped3A : memref<!tpu.dma_semaphore, #tpu.memory_space<semaphore_mem>>)
        %dma_wait3A_568 = arith.constant 128 : i32
        %dma_wait3A_569 = arith.constant 0 : i32
        %dma_wait3A_570 = tpu.memref_slice %arg7[%dma_wait3A_568, %dma_wait3A_569] : memref<1000x128xf32, #tpu.memory_space<vmem_shared>> -> memref<64x128xf32, #tpu.memory_space<vmem_shared>>
        %dma_wait3A_571 = arith.constant 128 : i32
        %dma_wait3A_572 = arith.constant 0 : i32
        %dma_wait3A_573 = tpu.memref_slice %arg2[%dma_wait3A_571, %dma_wait3A_572] : memref<1000x128xf32, #tpu.memory_space<hbm>> -> memref<64x128xf32, #tpu.memory_space<hbm>>
        tpu.wait_dma2 semaphore(%run_scoped3A : memref<!tpu.dma_semaphore, #tpu.memory_space<semaphore_mem>>) src(%dma_wait3A_573 : memref<64x128xf32, #tpu.memory_space<hbm>>) dst(%dma_wait3A_570 : memref<64x128xf32, #tpu.memory_space<vmem_shared>>)
        tpu.yield
      }) : () -> ()
    } else {
    }
    %eq3A_16 = arith.constant 3 : i32
    %eq3A_17 = arith.cmpi eq, %arg1, %eq3A_16 : i32
    %convert_element_type3A_18 = arith.extui %eq3A_17 : i1 to i32
    %cond3A_19 = arith.constant 0 : i32
    %cond3A_20 = arith.cmpi ne, %convert_element_type3A_18, %cond3A_19 : i32
    scf.if %cond3A_20 {
      "tpu.region"() ({
        %run_scoped3A = tpu.sem_alloc : memref<!tpu.dma_semaphore, #tpu.memory_space<semaphore_mem>>
        %dma_start3A_562 = arith.constant 192 : i32
        %dma_start3A_563 = arith.constant 0 : i32
        %dma_start3A_564 = tpu.memref_slice %arg7[%dma_start3A_562, %dma_start3A_563] : memref<1000x128xf32, #tpu.memory_space<vmem_shared>> -> memref<64x128xf32, #tpu.memory_space<vmem_shared>>
        %dma_start3A_565 = arith.constant 192 : i32
        %dma_start3A_566 = arith.constant 0 : i32
        %dma_start3A_567 = tpu.memref_slice %arg2[%dma_start3A_565, %dma_start3A_566] : memref<1000x128xf32, #tpu.memory_space<hbm>> -> memref<64x128xf32, #tpu.memory_space<hbm>>
        tpu.enqueue_dma source(%dma_start3A_567 : memref<64x128xf32, #tpu.memory_space<hbm>>) target(%dma_start3A_564 : memref<64x128xf32, #tpu.memory_space<vmem_shared>>) target_semaphore(%run_scoped3A : memref<!tpu.dma_semaphore, #tpu.memory_space<semaphore_mem>>)
        %dma_wait3A_568 = arith.constant 192 : i32
        %dma_wait3A_569 = arith.constant 0 : i32
        %dma_wait3A_570 = tpu.memref_slice %arg7[%dma_wait3A_568, %dma_wait3A_569] : memref<1000x128xf32, #tpu.memory_space<vmem_shared>> -> memref<64x128xf32, #tpu.memory_space<vmem_shared>>
        %dma_wait3A_571 = arith.constant 192 : i32
        %dma_wait3A_572 = arith.constant 0 : i32
        %dma_wait3A_573 = tpu.memref_slice %arg2[%dma_wait3A_571, %dma_wait3A_572] : memref<1000x128xf32, #tpu.memory_space<hbm>> -> memref<64x128xf32, #tpu.memory_space<hbm>>
        tpu.wait_dma2 semaphore(%run_scoped3A : memref<!tpu.dma_semaphore, #tpu.memory_space<semaphore_mem>>) src(%dma_wait3A_573 : memref<64x128xf32, #tpu.memory_space<hbm>>) dst(%dma_wait3A_570 : memref<64x128xf32, #tpu.memory_space<vmem_shared>>)
        tpu.yield
      }) : () -> ()
    } else {
    }
    %eq3A_21 = arith.constant 4 : i32
    %eq3A_22 = arith.cmpi eq, %arg1, %eq3A_21 : i32
    %convert_element_type3A_23 = arith.extui %eq3A_22 : i1 to i32
    %cond3A_24 = arith.constant 0 : i32
    %cond3A_25 = arith.cmpi ne, %convert_element_type3A_23, %cond3A_24 : i32
    scf.if %cond3A_25 {
      "tpu.region"() ({
        %run_scoped3A = tpu.sem_alloc : memref<!tpu.dma_semaphore, #tpu.memory_space<semaphore_mem>>
        %dma_start3A_562 = arith.constant 256 : i32
        %dma_start3A_563 = arith.constant 0 : i32
        %dma_start3A_564 = tpu.memref_slice %arg7[%dma_start3A_562, %dma_start3A_563] : memref<1000x128xf32, #tpu.memory_space<vmem_shared>> -> memref<64x128xf32, #tpu.memory_space<vmem_shared>>
        %dma_start3A_565 = arith.constant 256 : i32
        %dma_start3A_566 = arith.constant 0 : i32
        %dma_start3A_567 = tpu.memref_slice %arg2[%dma_start3A_565, %dma_start3A_566] : memref<1000x128xf32, #tpu.memory_space<hbm>> -> memref<64x128xf32, #tpu.memory_space<hbm>>
        tpu.enqueue_dma source(%dma_start3A_567 : memref<64x128xf32, #tpu.memory_space<hbm>>) target(%dma_start3A_564 : memref<64x128xf32, #tpu.memory_space<vmem_shared>>) target_semaphore(%run_scoped3A : memref<!tpu.dma_semaphore, #tpu.memory_space<semaphore_mem>>)
        %dma_wait3A_568 = arith.constant 256 : i32
        %dma_wait3A_569 = arith.constant 0 : i32
        %dma_wait3A_570 = tpu.memref_slice %arg7[%dma_wait3A_568, %dma_wait3A_569] : memref<1000x128xf32, #tpu.memory_space<vmem_shared>> -> memref<64x128xf32, #tpu.memory_space<vmem_shared>>
        %dma_wait3A_571 = arith.constant 256 : i32
        %dma_wait3A_572 = arith.constant 0 : i32
        %dma_wait3A_573 = tpu.memref_slice %arg2[%dma_wait3A_571, %dma_wait3A_572] : memref<1000x128xf32, #tpu.memory_space<hbm>> -> memref<64x128xf32, #tpu.memory_space<hbm>>
        tpu.wait_dma2 semaphore(%run_scoped3A : memref<!tpu.dma_semaphore, #tpu.memory_space<semaphore_mem>>) src(%dma_wait3A_573 : memref<64x128xf32, #tpu.memory_space<hbm>>) dst(%dma_wait3A_570 : memref<64x128xf32, #tpu.memory_space<vmem_shared>>)
        tpu.yield
      }) : () -> ()
    } else {
    }
    %eq3A_26 = arith.constant 5 : i32
    %eq3A_27 = arith.cmpi eq, %arg1, %eq3A_26 : i32
    %convert_element_type3A_28 = arith.extui %eq3A_27 : i1 to i32
    %cond3A_29 = arith.constant 0 : i32
    %cond3A_30 = arith.cmpi ne, %convert_element_type3A_28, %cond3A_29 : i32
    scf.if %cond3A_30 {
      "tpu.region"() ({
        %run_scoped3A = tpu.sem_alloc : memref<!tpu.dma_semaphore, #tpu.memory_space<semaphore_mem>>
        %dma_start3A_562 = arith.constant 320 : i32
        %dma_start3A_563 = arith.constant 0 : i32
        %dma_start3A_564 = tpu.memref_slice %arg7[%dma_start3A_562, %dma_start3A_563] : memref<1000x128xf32, #tpu.memory_space<vmem_shared>> -> memref<64x128xf32, #tpu.memory_space<vmem_shared>>
        %dma_start3A_565 = arith.constant 320 : i32
        %dma_start3A_566 = arith.constant 0 : i32
        %dma_start3A_567 = tpu.memref_slice %arg2[%dma_start3A_565, %dma_start3A_566] : memref<1000x128xf32, #tpu.memory_space<hbm>> -> memref<64x128xf32, #tpu.memory_space<hbm>>
        tpu.enqueue_dma source(%dma_start3A_567 : memref<64x128xf32, #tpu.memory_space<hbm>>) target(%dma_start3A_564 : memref<64x128xf32, #tpu.memory_space<vmem_shared>>) target_semaphore(%run_scoped3A : memref<!tpu.dma_semaphore, #tpu.memory_space<semaphore_mem>>)
        %dma_wait3A_568 = arith.constant 320 : i32
        %dma_wait3A_569 = arith.constant 0 : i32
        %dma_wait3A_570 = tpu.memref_slice %arg7[%dma_wait3A_568, %dma_wait3A_569] : memref<1000x128xf32, #tpu.memory_space<vmem_shared>> -> memref<64x128xf32, #tpu.memory_space<vmem_shared>>
        %dma_wait3A_571 = arith.constant 320 : i32
        %dma_wait3A_572 = arith.constant 0 : i32
        %dma_wait3A_573 = tpu.memref_slice %arg2[%dma_wait3A_571, %dma_wait3A_572] : memref<1000x128xf32, #tpu.memory_space<hbm>> -> memref<64x128xf32, #tpu.memory_space<hbm>>
        tpu.wait_dma2 semaphore(%run_scoped3A : memref<!tpu.dma_semaphore, #tpu.memory_space<semaphore_mem>>) src(%dma_wait3A_573 : memref<64x128xf32, #tpu.memory_space<hbm>>) dst(%dma_wait3A_570 : memref<64x128xf32, #tpu.memory_space<vmem_shared>>)
        tpu.yield
      }) : () -> ()
    } else {
    }
    %eq3A_31 = arith.constant 6 : i32
    %eq3A_32 = arith.cmpi eq, %arg1, %eq3A_31 : i32
    %convert_element_type3A_33 = arith.extui %eq3A_32 : i1 to i32
    %cond3A_34 = arith.constant 0 : i32
    %cond3A_35 = arith.cmpi ne, %convert_element_type3A_33, %cond3A_34 : i32
    scf.if %cond3A_35 {
      "tpu.region"() ({
        %run_scoped3A = tpu.sem_alloc : memref<!tpu.dma_semaphore, #tpu.memory_space<semaphore_mem>>
        %dma_start3A_562 = arith.constant 384 : i32
        %dma_start3A_563 = arith.constant 0 : i32
        %dma_start3A_564 = tpu.memref_slice %arg7[%dma_start3A_562, %dma_start3A_563] : memref<1000x128xf32, #tpu.memory_space<vmem_shared>> -> memref<64x128xf32, #tpu.memory_space<vmem_shared>>
        %dma_start3A_565 = arith.constant 384 : i32
        %dma_start3A_566 = arith.constant 0 : i32
        %dma_start3A_567 = tpu.memref_slice %arg2[%dma_start3A_565, %dma_start3A_566] : memref<1000x128xf32, #tpu.memory_space<hbm>> -> memref<64x128xf32, #tpu.memory_space<hbm>>
        tpu.enqueue_dma source(%dma_start3A_567 : memref<64x128xf32, #tpu.memory_space<hbm>>) target(%dma_start3A_564 : memref<64x128xf32, #tpu.memory_space<vmem_shared>>) target_semaphore(%run_scoped3A : memref<!tpu.dma_semaphore, #tpu.memory_space<semaphore_mem>>)
        %dma_wait3A_568 = arith.constant 384 : i32
        %dma_wait3A_569 = arith.constant 0 : i32
        %dma_wait3A_570 = tpu.memref_slice %arg7[%dma_wait3A_568, %dma_wait3A_569] : memref<1000x128xf32, #tpu.memory_space<vmem_shared>> -> memref<64x128xf32, #tpu.memory_space<vmem_shared>>
        %dma_wait3A_571 = arith.constant 384 : i32
        %dma_wait3A_572 = arith.constant 0 : i32
        %dma_wait3A_573 = tpu.memref_slice %arg2[%dma_wait3A_571, %dma_wait3A_572] : memref<1000x128xf32, #tpu.memory_space<hbm>> -> memref<64x128xf32, #tpu.memory_space<hbm>>
        tpu.wait_dma2 semaphore(%run_scoped3A : memref<!tpu.dma_semaphore, #tpu.memory_space<semaphore_mem>>) src(%dma_wait3A_573 : memref<64x128xf32, #tpu.memory_space<hbm>>) dst(%dma_wait3A_570 : memref<64x128xf32, #tpu.memory_space<vmem_shared>>)
        tpu.yield
      }) : () -> ()
    } else {
    }
    %eq3A_36 = arith.constant 7 : i32
    %eq3A_37 = arith.cmpi eq, %arg1, %eq3A_36 : i32
    %convert_element_type3A_38 = arith.extui %eq3A_37 : i1 to i32
    %cond3A_39 = arith.constant 0 : i32
    %cond3A_40 = arith.cmpi ne, %convert_element_type3A_38, %cond3A_39 : i32
    scf.if %cond3A_40 {
      "tpu.region"() ({
        %run_scoped3A = tpu.sem_alloc : memref<!tpu.dma_semaphore, #tpu.memory_space<semaphore_mem>>
        %dma_start3A_562 = arith.constant 448 : i32
        %dma_start3A_563 = arith.constant 0 : i32
        %dma_start3A_564 = tpu.memref_slice %arg7[%dma_start3A_562, %dma_start3A_563] : memref<1000x128xf32, #tpu.memory_space<vmem_shared>> -> memref<64x128xf32, #tpu.memory_space<vmem_shared>>
        %dma_start3A_565 = arith.constant 448 : i32
        %dma_start3A_566 = arith.constant 0 : i32
        %dma_start3A_567 = tpu.memref_slice %arg2[%dma_start3A_565, %dma_start3A_566] : memref<1000x128xf32, #tpu.memory_space<hbm>> -> memref<64x128xf32, #tpu.memory_space<hbm>>
        tpu.enqueue_dma source(%dma_start3A_567 : memref<64x128xf32, #tpu.memory_space<hbm>>) target(%dma_start3A_564 : memref<64x128xf32, #tpu.memory_space<vmem_shared>>) target_semaphore(%run_scoped3A : memref<!tpu.dma_semaphore, #tpu.memory_space<semaphore_mem>>)
        %dma_wait3A_568 = arith.constant 448 : i32
        %dma_wait3A_569 = arith.constant 0 : i32
        %dma_wait3A_570 = tpu.memref_slice %arg7[%dma_wait3A_568, %dma_wait3A_569] : memref<1000x128xf32, #tpu.memory_space<vmem_shared>> -> memref<64x128xf32, #tpu.memory_space<vmem_shared>>
        %dma_wait3A_571 = arith.constant 448 : i32
        %dma_wait3A_572 = arith.constant 0 : i32
        %dma_wait3A_573 = tpu.memref_slice %arg2[%dma_wait3A_571, %dma_wait3A_572] : memref<1000x128xf32, #tpu.memory_space<hbm>> -> memref<64x128xf32, #tpu.memory_space<hbm>>
        tpu.wait_dma2 semaphore(%run_scoped3A : memref<!tpu.dma_semaphore, #tpu.memory_space<semaphore_mem>>) src(%dma_wait3A_573 : memref<64x128xf32, #tpu.memory_space<hbm>>) dst(%dma_wait3A_570 : memref<64x128xf32, #tpu.memory_space<vmem_shared>>)
        tpu.yield
      }) : () -> ()
    } else {
    }
    %eq3A_41 = arith.constant 8 : i32
    %eq3A_42 = arith.cmpi eq, %arg1, %eq3A_41 : i32
    %convert_element_type3A_43 = arith.extui %eq3A_42 : i1 to i32
    %cond3A_44 = arith.constant 0 : i32
    %cond3A_45 = arith.cmpi ne, %convert_element_type3A_43, %cond3A_44 : i32
    scf.if %cond3A_45 {
      "tpu.region"() ({
        %run_scoped3A = tpu.sem_alloc : memref<!tpu.dma_semaphore, #tpu.memory_space<semaphore_mem>>
        %dma_start3A_562 = arith.constant 512 : i32
        %dma_start3A_563 = arith.constant 0 : i32
        %dma_start3A_564 = tpu.memref_slice %arg7[%dma_start3A_562, %dma_start3A_563] : memref<1000x128xf32, #tpu.memory_space<vmem_shared>> -> memref<64x128xf32, #tpu.memory_space<vmem_shared>>
        %dma_start3A_565 = arith.constant 512 : i32
        %dma_start3A_566 = arith.constant 0 : i32
        %dma_start3A_567 = tpu.memref_slice %arg2[%dma_start3A_565, %dma_start3A_566] : memref<1000x128xf32, #tpu.memory_space<hbm>> -> memref<64x128xf32, #tpu.memory_space<hbm>>
        tpu.enqueue_dma source(%dma_start3A_567 : memref<64x128xf32, #tpu.memory_space<hbm>>) target(%dma_start3A_564 : memref<64x128xf32, #tpu.memory_space<vmem_shared>>) target_semaphore(%run_scoped3A : memref<!tpu.dma_semaphore, #tpu.memory_space<semaphore_mem>>)
        %dma_wait3A_568 = arith.constant 512 : i32
        %dma_wait3A_569 = arith.constant 0 : i32
        %dma_wait3A_570 = tpu.memref_slice %arg7[%dma_wait3A_568, %dma_wait3A_569] : memref<1000x128xf32, #tpu.memory_space<vmem_shared>> -> memref<64x128xf32, #tpu.memory_space<vmem_shared>>
        %dma_wait3A_571 = arith.constant 512 : i32
        %dma_wait3A_572 = arith.constant 0 : i32
        %dma_wait3A_573 = tpu.memref_slice %arg2[%dma_wait3A_571, %dma_wait3A_572] : memref<1000x128xf32, #tpu.memory_space<hbm>> -> memref<64x128xf32, #tpu.memory_space<hbm>>
        tpu.wait_dma2 semaphore(%run_scoped3A : memref<!tpu.dma_semaphore, #tpu.memory_space<semaphore_mem>>) src(%dma_wait3A_573 : memref<64x128xf32, #tpu.memory_space<hbm>>) dst(%dma_wait3A_570 : memref<64x128xf32, #tpu.memory_space<vmem_shared>>)
        tpu.yield
      }) : () -> ()
    } else {
    }
    %eq3A_46 = arith.constant 9 : i32
    %eq3A_47 = arith.cmpi eq, %arg1, %eq3A_46 : i32
    %convert_element_type3A_48 = arith.extui %eq3A_47 : i1 to i32
    %cond3A_49 = arith.constant 0 : i32
    %cond3A_50 = arith.cmpi ne, %convert_element_type3A_48, %cond3A_49 : i32
    scf.if %cond3A_50 {
      "tpu.region"() ({
        %run_scoped3A = tpu.sem_alloc : memref<!tpu.dma_semaphore, #tpu.memory_space<semaphore_mem>>
        %dma_start3A_562 = arith.constant 576 : i32
        %dma_start3A_563 = arith.constant 0 : i32
        %dma_start3A_564 = tpu.memref_slice %arg7[%dma_start3A_562, %dma_start3A_563] : memref<1000x128xf32, #tpu.memory_space<vmem_shared>> -> memref<64x128xf32, #tpu.memory_space<vmem_shared>>
        %dma_start3A_565 = arith.constant 576 : i32
        %dma_start3A_566 = arith.constant 0 : i32
        %dma_start3A_567 = tpu.memref_slice %arg2[%dma_start3A_565, %dma_start3A_566] : memref<1000x128xf32, #tpu.memory_space<hbm>> -> memref<64x128xf32, #tpu.memory_space<hbm>>
        tpu.enqueue_dma source(%dma_start3A_567 : memref<64x128xf32, #tpu.memory_space<hbm>>) target(%dma_start3A_564 : memref<64x128xf32, #tpu.memory_space<vmem_shared>>) target_semaphore(%run_scoped3A : memref<!tpu.dma_semaphore, #tpu.memory_space<semaphore_mem>>)
        %dma_wait3A_568 = arith.constant 576 : i32
        %dma_wait3A_569 = arith.constant 0 : i32
        %dma_wait3A_570 = tpu.memref_slice %arg7[%dma_wait3A_568, %dma_wait3A_569] : memref<1000x128xf32, #tpu.memory_space<vmem_shared>> -> memref<64x128xf32, #tpu.memory_space<vmem_shared>>
        %dma_wait3A_571 = arith.constant 576 : i32
        %dma_wait3A_572 = arith.constant 0 : i32
        %dma_wait3A_573 = tpu.memref_slice %arg2[%dma_wait3A_571, %dma_wait3A_572] : memref<1000x128xf32, #tpu.memory_space<hbm>> -> memref<64x128xf32, #tpu.memory_space<hbm>>
        tpu.wait_dma2 semaphore(%run_scoped3A : memref<!tpu.dma_semaphore, #tpu.memory_space<semaphore_mem>>) src(%dma_wait3A_573 : memref<64x128xf32, #tpu.memory_space<hbm>>) dst(%dma_wait3A_570 : memref<64x128xf32, #tpu.memory_space<vmem_shared>>)
        tpu.yield
      }) : () -> ()
    } else {
    }
    %eq3A_51 = arith.constant 10 : i32
    %eq3A_52 = arith.cmpi eq, %arg1, %eq3A_51 : i32
    %convert_element_type3A_53 = arith.extui %eq3A_52 : i1 to i32
    %cond3A_54 = arith.constant 0 : i32
    %cond3A_55 = arith.cmpi ne, %convert_element_type3A_53, %cond3A_54 : i32
    scf.if %cond3A_55 {
      "tpu.region"() ({
        %run_scoped3A = tpu.sem_alloc : memref<!tpu.dma_semaphore, #tpu.memory_space<semaphore_mem>>
        %dma_start3A_562 = arith.constant 640 : i32
        %dma_start3A_563 = arith.constant 0 : i32
        %dma_start3A_564 = tpu.memref_slice %arg7[%dma_start3A_562, %dma_start3A_563] : memref<1000x128xf32, #tpu.memory_space<vmem_shared>> -> memref<64x128xf32, #tpu.memory_space<vmem_shared>>
        %dma_start3A_565 = arith.constant 640 : i32
        %dma_start3A_566 = arith.constant 0 : i32
        %dma_start3A_567 = tpu.memref_slice %arg2[%dma_start3A_565, %dma_start3A_566] : memref<1000x128xf32, #tpu.memory_space<hbm>> -> memref<64x128xf32, #tpu.memory_space<hbm>>
        tpu.enqueue_dma source(%dma_start3A_567 : memref<64x128xf32, #tpu.memory_space<hbm>>) target(%dma_start3A_564 : memref<64x128xf32, #tpu.memory_space<vmem_shared>>) target_semaphore(%run_scoped3A : memref<!tpu.dma_semaphore, #tpu.memory_space<semaphore_mem>>)
        %dma_wait3A_568 = arith.constant 640 : i32
        %dma_wait3A_569 = arith.constant 0 : i32
        %dma_wait3A_570 = tpu.memref_slice %arg7[%dma_wait3A_568, %dma_wait3A_569] : memref<1000x128xf32, #tpu.memory_space<vmem_shared>> -> memref<64x128xf32, #tpu.memory_space<vmem_shared>>
        %dma_wait3A_571 = arith.constant 640 : i32
        %dma_wait3A_572 = arith.constant 0 : i32
        %dma_wait3A_573 = tpu.memref_slice %arg2[%dma_wait3A_571, %dma_wait3A_572] : memref<1000x128xf32, #tpu.memory_space<hbm>> -> memref<64x128xf32, #tpu.memory_space<hbm>>
        tpu.wait_dma2 semaphore(%run_scoped3A : memref<!tpu.dma_semaphore, #tpu.memory_space<semaphore_mem>>) src(%dma_wait3A_573 : memref<64x128xf32, #tpu.memory_space<hbm>>) dst(%dma_wait3A_570 : memref<64x128xf32, #tpu.memory_space<vmem_shared>>)
        tpu.yield
      }) : () -> ()
    } else {
    }
    %eq3A_56 = arith.constant 11 : i32
    %eq3A_57 = arith.cmpi eq, %arg1, %eq3A_56 : i32
    %convert_element_type3A_58 = arith.extui %eq3A_57 : i1 to i32
    %cond3A_59 = arith.constant 0 : i32
    %cond3A_60 = arith.cmpi ne, %convert_element_type3A_58, %cond3A_59 : i32
    scf.if %cond3A_60 {
      "tpu.region"() ({
        %run_scoped3A = tpu.sem_alloc : memref<!tpu.dma_semaphore, #tpu.memory_space<semaphore_mem>>
        %dma_start3A_562 = arith.constant 704 : i32
        %dma_start3A_563 = arith.constant 0 : i32
        %dma_start3A_564 = tpu.memref_slice %arg7[%dma_start3A_562, %dma_start3A_563] : memref<1000x128xf32, #tpu.memory_space<vmem_shared>> -> memref<64x128xf32, #tpu.memory_space<vmem_shared>>
        %dma_start3A_565 = arith.constant 704 : i32
        %dma_start3A_566 = arith.constant 0 : i32
        %dma_start3A_567 = tpu.memref_slice %arg2[%dma_start3A_565, %dma_start3A_566] : memref<1000x128xf32, #tpu.memory_space<hbm>> -> memref<64x128xf32, #tpu.memory_space<hbm>>
        tpu.enqueue_dma source(%dma_start3A_567 : memref<64x128xf32, #tpu.memory_space<hbm>>) target(%dma_start3A_564 : memref<64x128xf32, #tpu.memory_space<vmem_shared>>) target_semaphore(%run_scoped3A : memref<!tpu.dma_semaphore, #tpu.memory_space<semaphore_mem>>)
        %dma_wait3A_568 = arith.constant 704 : i32
        %dma_wait3A_569 = arith.constant 0 : i32
        %dma_wait3A_570 = tpu.memref_slice %arg7[%dma_wait3A_568, %dma_wait3A_569] : memref<1000x128xf32, #tpu.memory_space<vmem_shared>> -> memref<64x128xf32, #tpu.memory_space<vmem_shared>>
        %dma_wait3A_571 = arith.constant 704 : i32
        %dma_wait3A_572 = arith.constant 0 : i32
        %dma_wait3A_573 = tpu.memref_slice %arg2[%dma_wait3A_571, %dma_wait3A_572] : memref<1000x128xf32, #tpu.memory_space<hbm>> -> memref<64x128xf32, #tpu.memory_space<hbm>>
        tpu.wait_dma2 semaphore(%run_scoped3A : memref<!tpu.dma_semaphore, #tpu.memory_space<semaphore_mem>>) src(%dma_wait3A_573 : memref<64x128xf32, #tpu.memory_space<hbm>>) dst(%dma_wait3A_570 : memref<64x128xf32, #tpu.memory_space<vmem_shared>>)
        tpu.yield
      }) : () -> ()
    } else {
    }
    %eq3A_61 = arith.constant 12 : i32
    %eq3A_62 = arith.cmpi eq, %arg1, %eq3A_61 : i32
    %convert_element_type3A_63 = arith.extui %eq3A_62 : i1 to i32
    %cond3A_64 = arith.constant 0 : i32
    %cond3A_65 = arith.cmpi ne, %convert_element_type3A_63, %cond3A_64 : i32
    scf.if %cond3A_65 {
      "tpu.region"() ({
        %run_scoped3A = tpu.sem_alloc : memref<!tpu.dma_semaphore, #tpu.memory_space<semaphore_mem>>
        %dma_start3A_562 = arith.constant 768 : i32
        %dma_start3A_563 = arith.constant 0 : i32
        %dma_start3A_564 = tpu.memref_slice %arg7[%dma_start3A_562, %dma_start3A_563] : memref<1000x128xf32, #tpu.memory_space<vmem_shared>> -> memref<64x128xf32, #tpu.memory_space<vmem_shared>>
        %dma_start3A_565 = arith.constant 768 : i32
        %dma_start3A_566 = arith.constant 0 : i32
        %dma_start3A_567 = tpu.memref_slice %arg2[%dma_start3A_565, %dma_start3A_566] : memref<1000x128xf32, #tpu.memory_space<hbm>> -> memref<64x128xf32, #tpu.memory_space<hbm>>
        tpu.enqueue_dma source(%dma_start3A_567 : memref<64x128xf32, #tpu.memory_space<hbm>>) target(%dma_start3A_564 : memref<64x128xf32, #tpu.memory_space<vmem_shared>>) target_semaphore(%run_scoped3A : memref<!tpu.dma_semaphore, #tpu.memory_space<semaphore_mem>>)
        %dma_wait3A_568 = arith.constant 768 : i32
        %dma_wait3A_569 = arith.constant 0 : i32
        %dma_wait3A_570 = tpu.memref_slice %arg7[%dma_wait3A_568, %dma_wait3A_569] : memref<1000x128xf32, #tpu.memory_space<vmem_shared>> -> memref<64x128xf32, #tpu.memory_space<vmem_shared>>
        %dma_wait3A_571 = arith.constant 768 : i32
        %dma_wait3A_572 = arith.constant 0 : i32
        %dma_wait3A_573 = tpu.memref_slice %arg2[%dma_wait3A_571, %dma_wait3A_572] : memref<1000x128xf32, #tpu.memory_space<hbm>> -> memref<64x128xf32, #tpu.memory_space<hbm>>
        tpu.wait_dma2 semaphore(%run_scoped3A : memref<!tpu.dma_semaphore, #tpu.memory_space<semaphore_mem>>) src(%dma_wait3A_573 : memref<64x128xf32, #tpu.memory_space<hbm>>) dst(%dma_wait3A_570 : memref<64x128xf32, #tpu.memory_space<vmem_shared>>)
        tpu.yield
      }) : () -> ()
    } else {
    }
    %eq3A_66 = arith.constant 13 : i32
    %eq3A_67 = arith.cmpi eq, %arg1, %eq3A_66 : i32
    %convert_element_type3A_68 = arith.extui %eq3A_67 : i1 to i32
    %cond3A_69 = arith.constant 0 : i32
    %cond3A_70 = arith.cmpi ne, %convert_element_type3A_68, %cond3A_69 : i32
    scf.if %cond3A_70 {
      "tpu.region"() ({
        %run_scoped3A = tpu.sem_alloc : memref<!tpu.dma_semaphore, #tpu.memory_space<semaphore_mem>>
        %dma_start3A_562 = arith.constant 832 : i32
        %dma_start3A_563 = arith.constant 0 : i32
        %dma_start3A_564 = tpu.memref_slice %arg7[%dma_start3A_562, %dma_start3A_563] : memref<1000x128xf32, #tpu.memory_space<vmem_shared>> -> memref<64x128xf32, #tpu.memory_space<vmem_shared>>
        %dma_start3A_565 = arith.constant 832 : i32
        %dma_start3A_566 = arith.constant 0 : i32
        %dma_start3A_567 = tpu.memref_slice %arg2[%dma_start3A_565, %dma_start3A_566] : memref<1000x128xf32, #tpu.memory_space<hbm>> -> memref<64x128xf32, #tpu.memory_space<hbm>>
        tpu.enqueue_dma source(%dma_start3A_567 : memref<64x128xf32, #tpu.memory_space<hbm>>) target(%dma_start3A_564 : memref<64x128xf32, #tpu.memory_space<vmem_shared>>) target_semaphore(%run_scoped3A : memref<!tpu.dma_semaphore, #tpu.memory_space<semaphore_mem>>)
        %dma_wait3A_568 = arith.constant 832 : i32
        %dma_wait3A_569 = arith.constant 0 : i32
        %dma_wait3A_570 = tpu.memref_slice %arg7[%dma_wait3A_568, %dma_wait3A_569] : memref<1000x128xf32, #tpu.memory_space<vmem_shared>> -> memref<64x128xf32, #tpu.memory_space<vmem_shared>>
        %dma_wait3A_571 = arith.constant 832 : i32
        %dma_wait3A_572 = arith.constant 0 : i32
        %dma_wait3A_573 = tpu.memref_slice %arg2[%dma_wait3A_571, %dma_wait3A_572] : memref<1000x128xf32, #tpu.memory_space<hbm>> -> memref<64x128xf32, #tpu.memory_space<hbm>>
        tpu.wait_dma2 semaphore(%run_scoped3A : memref<!tpu.dma_semaphore, #tpu.memory_space<semaphore_mem>>) src(%dma_wait3A_573 : memref<64x128xf32, #tpu.memory_space<hbm>>) dst(%dma_wait3A_570 : memref<64x128xf32, #tpu.memory_space<vmem_shared>>)
        tpu.yield
      }) : () -> ()
    } else {
    }
    %eq3A_71 = arith.constant 14 : i32
    %eq3A_72 = arith.cmpi eq, %arg1, %eq3A_71 : i32
    %convert_element_type3A_73 = arith.extui %eq3A_72 : i1 to i32
    %cond3A_74 = arith.constant 0 : i32
    %cond3A_75 = arith.cmpi ne, %convert_element_type3A_73, %cond3A_74 : i32
    scf.if %cond3A_75 {
      "tpu.region"() ({
        %run_scoped3A = tpu.sem_alloc : memref<!tpu.dma_semaphore, #tpu.memory_space<semaphore_mem>>
        %dma_start3A_562 = arith.constant 896 : i32
        %dma_start3A_563 = arith.constant 0 : i32
        %dma_start3A_564 = tpu.memref_slice %arg7[%dma_start3A_562, %dma_start3A_563] : memref<1000x128xf32, #tpu.memory_space<vmem_shared>> -> memref<64x128xf32, #tpu.memory_space<vmem_shared>>
        %dma_start3A_565 = arith.constant 896 : i32
        %dma_start3A_566 = arith.constant 0 : i32
        %dma_start3A_567 = tpu.memref_slice %arg2[%dma_start3A_565, %dma_start3A_566] : memref<1000x128xf32, #tpu.memory_space<hbm>> -> memref<64x128xf32, #tpu.memory_space<hbm>>
        tpu.enqueue_dma source(%dma_start3A_567 : memref<64x128xf32, #tpu.memory_space<hbm>>) target(%dma_start3A_564 : memref<64x128xf32, #tpu.memory_space<vmem_shared>>) target_semaphore(%run_scoped3A : memref<!tpu.dma_semaphore, #tpu.memory_space<semaphore_mem>>)
        %dma_wait3A_568 = arith.constant 896 : i32
        %dma_wait3A_569 = arith.constant 0 : i32
        %dma_wait3A_570 = tpu.memref_slice %arg7[%dma_wait3A_568, %dma_wait3A_569] : memref<1000x128xf32, #tpu.memory_space<vmem_shared>> -> memref<64x128xf32, #tpu.memory_space<vmem_shared>>
        %dma_wait3A_571 = arith.constant 896 : i32
        %dma_wait3A_572 = arith.constant 0 : i32
        %dma_wait3A_573 = tpu.memref_slice %arg2[%dma_wait3A_571, %dma_wait3A_572] : memref<1000x128xf32, #tpu.memory_space<hbm>> -> memref<64x128xf32, #tpu.memory_space<hbm>>
        tpu.wait_dma2 semaphore(%run_scoped3A : memref<!tpu.dma_semaphore, #tpu.memory_space<semaphore_mem>>) src(%dma_wait3A_573 : memref<64x128xf32, #tpu.memory_space<hbm>>) dst(%dma_wait3A_570 : memref<64x128xf32, #tpu.memory_space<vmem_shared>>)
        tpu.yield
      }) : () -> ()
    } else {
    }
    %eq3A_76 = arith.constant 15 : i32
    %eq3A_77 = arith.cmpi eq, %arg1, %eq3A_76 : i32
    %convert_element_type3A_78 = arith.extui %eq3A_77 : i1 to i32
    %cond3A_79 = arith.constant 0 : i32
    %cond3A_80 = arith.cmpi ne, %convert_element_type3A_78, %cond3A_79 : i32
    scf.if %cond3A_80 {
      "tpu.region"() ({
        %run_scoped3A = tpu.sem_alloc : memref<!tpu.dma_semaphore, #tpu.memory_space<semaphore_mem>>
        %dma_start3A_562 = arith.constant 960 : i32
        %dma_start3A_563 = arith.constant 0 : i32
        %dma_start3A_564 = tpu.memref_slice %arg7[%dma_start3A_562, %dma_start3A_563] : memref<1000x128xf32, #tpu.memory_space<vmem_shared>> -> memref<40x128xf32, #tpu.memory_space<vmem_shared>>
        %dma_start3A_565 = arith.constant 960 : i32
        %dma_start3A_566 = arith.constant 0 : i32
        %dma_start3A_567 = tpu.memref_slice %arg2[%dma_start3A_565, %dma_start3A_566] : memref<1000x128xf32, #tpu.memory_space<hbm>> -> memref<40x128xf32, #tpu.memory_space<hbm>>
        tpu.enqueue_dma source(%dma_start3A_567 : memref<40x128xf32, #tpu.memory_space<hbm>>) target(%dma_start3A_564 : memref<40x128xf32, #tpu.memory_space<vmem_shared>>) target_semaphore(%run_scoped3A : memref<!tpu.dma_semaphore, #tpu.memory_space<semaphore_mem>>)
        %dma_wait3A_568 = arith.constant 960 : i32
        %dma_wait3A_569 = arith.constant 0 : i32
        %dma_wait3A_570 = tpu.memref_slice %arg7[%dma_wait3A_568, %dma_wait3A_569] : memref<1000x128xf32, #tpu.memory_space<vmem_shared>> -> memref<40x128xf32, #tpu.memory_space<vmem_shared>>
        %dma_wait3A_571 = arith.constant 960 : i32
        %dma_wait3A_572 = arith.constant 0 : i32
        %dma_wait3A_573 = tpu.memref_slice %arg2[%dma_wait3A_571, %dma_wait3A_572] : memref<1000x128xf32, #tpu.memory_space<hbm>> -> memref<40x128xf32, #tpu.memory_space<hbm>>
        tpu.wait_dma2 semaphore(%run_scoped3A : memref<!tpu.dma_semaphore, #tpu.memory_space<semaphore_mem>>) src(%dma_wait3A_573 : memref<40x128xf32, #tpu.memory_space<hbm>>) dst(%dma_wait3A_570 : memref<40x128xf32, #tpu.memory_space<vmem_shared>>)
        tpu.yield
      }) : () -> ()
    } else {
    }
    %barrier3A = arith.constant 0 : index
    tpu.barrier barrier_id(%barrier3A)
    %dma_wait3A = tpu.memref_slice %arg3[%mul3A_2] : memref<16384xi32, #tpu.memory_space<hbm>> -> memref<512xi32, #tpu.memory_space<hbm>>
    %dma_wait3A_81 = tpu.memref_slice %arg3[%mul3A_2] : memref<16384xi32, #tpu.memory_space<hbm>> -> memref<512xi32, #tpu.memory_space<hbm>>
    tpu.wait_dma2 semaphore(%arg10 : memref<!tpu.dma_semaphore, #tpu.memory_space<semaphore_mem>>) src(%dma_wait3A_81 : memref<512xi32, #tpu.memory_space<hbm>>) dst(%arg5 : memref<512xi32, #tpu.memory_space<vmem>>)
    %dma_start3A_82 = arith.constant 0 : i32
    %dma_start3A_83 = arith.constant 0 : i32
    %dma_start3A_84 = arith.constant 0 : i32
    %dma_start3A_85 = arith.constant 0 : i32
    %dma_start3A_86 = tpu.memref_slice %arg6[%dma_start3A_82, %dma_start3A_84, %dma_start3A_85] : memref<8x64x128xf32, #tpu.memory_space<vmem>> -> memref<1x64x128xf32, #tpu.memory_space<vmem>>
    %dma_start3A_87 = tpu.memref_squeeze %dma_start3A_86 : memref<1x64x128xf32, #tpu.memory_space<vmem>> -> memref<64x128xf32, #tpu.memory_space<vmem>>
    %dma_start3A_88 = arith.constant 0 : i32
    %dma_start3A_89 = tpu.memref_slice %arg5[%dma_start3A_88] : memref<512xi32, #tpu.memory_space<vmem>> -> memref<64xi32, #tpu.memory_space<vmem>>
    %dma_start3A_90 = arith.constant 0 : i32
    %dma_start3A_91 = arith.constant 0 : i32
    %dma_start3A_92 = tpu.memref_slice %arg7[%dma_start3A_90, %dma_start3A_91] : memref<1000x128xf32, #tpu.memory_space<vmem_shared>> -> memref<1000x128xf32, #tpu.memory_space<vmem_shared>>
    %dma_start3A_93 = tpu.memref_slice %arg8[%dma_start3A_83] : memref<8x!tpu.dma_semaphore, #tpu.memory_space<semaphore_mem>> -> memref<1x!tpu.dma_semaphore, #tpu.memory_space<semaphore_mem>>
    %dma_start3A_94 = tpu.memref_squeeze %dma_start3A_93 : memref<1x!tpu.dma_semaphore, #tpu.memory_space<semaphore_mem>> -> memref<!tpu.dma_semaphore, #tpu.memory_space<semaphore_mem>>
    tpu.enqueue_indirect_dma source(%dma_start3A_92 : memref<1000x128xf32, #tpu.memory_space<vmem_shared>>) target(%dma_start3A_87 : memref<64x128xf32, #tpu.memory_space<vmem>>) offsets(%dma_start3A_89 : memref<64xi32, #tpu.memory_space<vmem>>) semaphore(%dma_start3A_94 : memref<!tpu.dma_semaphore, #tpu.memory_space<semaphore_mem>>)
    %dma_start3A_95 = arith.constant 1 : i32
    %dma_start3A_96 = arith.constant 1 : i32
    %dma_start3A_97 = arith.constant 0 : i32
    %dma_start3A_98 = arith.constant 0 : i32
    %dma_start3A_99 = tpu.memref_slice %arg6[%dma_start3A_95, %dma_start3A_97, %dma_start3A_98] : memref<8x64x128xf32, #tpu.memory_space<vmem>> -> memref<1x64x128xf32, #tpu.memory_space<vmem>>
    %dma_start3A_100 = tpu.memref_squeeze %dma_start3A_99 : memref<1x64x128xf32, #tpu.memory_space<vmem>> -> memref<64x128xf32, #tpu.memory_space<vmem>>
    %dma_start3A_101 = arith.constant 64 : i32
    %dma_start3A_102 = tpu.memref_slice %arg5[%dma_start3A_101] : memref<512xi32, #tpu.memory_space<vmem>> -> memref<64xi32, #tpu.memory_space<vmem>>
    %dma_start3A_103 = arith.constant 0 : i32
    %dma_start3A_104 = arith.constant 0 : i32
    %dma_start3A_105 = tpu.memref_slice %arg7[%dma_start3A_103, %dma_start3A_104] : memref<1000x128xf32, #tpu.memory_space<vmem_shared>> -> memref<1000x128xf32, #tpu.memory_space<vmem_shared>>
    %dma_start3A_106 = tpu.memref_slice %arg8[%dma_start3A_96] : memref<8x!tpu.dma_semaphore, #tpu.memory_space<semaphore_mem>> -> memref<1x!tpu.dma_semaphore, #tpu.memory_space<semaphore_mem>>
    %dma_start3A_107 = tpu.memref_squeeze %dma_start3A_106 : memref<1x!tpu.dma_semaphore, #tpu.memory_space<semaphore_mem>> -> memref<!tpu.dma_semaphore, #tpu.memory_space<semaphore_mem>>
    tpu.enqueue_indirect_dma source(%dma_start3A_105 : memref<1000x128xf32, #tpu.memory_space<vmem_shared>>) target(%dma_start3A_100 : memref<64x128xf32, #tpu.memory_space<vmem>>) offsets(%dma_start3A_102 : memref<64xi32, #tpu.memory_space<vmem>>) semaphore(%dma_start3A_107 : memref<!tpu.dma_semaphore, #tpu.memory_space<semaphore_mem>>)
    %dma_start3A_108 = arith.constant 2 : i32
    %dma_start3A_109 = arith.constant 2 : i32
    %dma_start3A_110 = arith.constant 0 : i32
    %dma_start3A_111 = arith.constant 0 : i32
    %dma_start3A_112 = tpu.memref_slice %arg6[%dma_start3A_108, %dma_start3A_110, %dma_start3A_111] : memref<8x64x128xf32, #tpu.memory_space<vmem>> -> memref<1x64x128xf32, #tpu.memory_space<vmem>>
    %dma_start3A_113 = tpu.memref_squeeze %dma_start3A_112 : memref<1x64x128xf32, #tpu.memory_space<vmem>> -> memref<64x128xf32, #tpu.memory_space<vmem>>
    %dma_start3A_114 = arith.constant 128 : i32
    %dma_start3A_115 = tpu.memref_slice %arg5[%dma_start3A_114] : memref<512xi32, #tpu.memory_space<vmem>> -> memref<64xi32, #tpu.memory_space<vmem>>
    %dma_start3A_116 = arith.constant 0 : i32
    %dma_start3A_117 = arith.constant 0 : i32
    %dma_start3A_118 = tpu.memref_slice %arg7[%dma_start3A_116, %dma_start3A_117] : memref<1000x128xf32, #tpu.memory_space<vmem_shared>> -> memref<1000x128xf32, #tpu.memory_space<vmem_shared>>
    %dma_start3A_119 = tpu.memref_slice %arg8[%dma_start3A_109] : memref<8x!tpu.dma_semaphore, #tpu.memory_space<semaphore_mem>> -> memref<1x!tpu.dma_semaphore, #tpu.memory_space<semaphore_mem>>
    %dma_start3A_120 = tpu.memref_squeeze %dma_start3A_119 : memref<1x!tpu.dma_semaphore, #tpu.memory_space<semaphore_mem>> -> memref<!tpu.dma_semaphore, #tpu.memory_space<semaphore_mem>>
    tpu.enqueue_indirect_dma source(%dma_start3A_118 : memref<1000x128xf32, #tpu.memory_space<vmem_shared>>) target(%dma_start3A_113 : memref<64x128xf32, #tpu.memory_space<vmem>>) offsets(%dma_start3A_115 : memref<64xi32, #tpu.memory_space<vmem>>) semaphore(%dma_start3A_120 : memref<!tpu.dma_semaphore, #tpu.memory_space<semaphore_mem>>)
    %dma_start3A_121 = arith.constant 3 : i32
    %dma_start3A_122 = arith.constant 3 : i32
    %dma_start3A_123 = arith.constant 0 : i32
    %dma_start3A_124 = arith.constant 0 : i32
    %dma_start3A_125 = tpu.memref_slice %arg6[%dma_start3A_121, %dma_start3A_123, %dma_start3A_124] : memref<8x64x128xf32, #tpu.memory_space<vmem>> -> memref<1x64x128xf32, #tpu.memory_space<vmem>>
    %dma_start3A_126 = tpu.memref_squeeze %dma_start3A_125 : memref<1x64x128xf32, #tpu.memory_space<vmem>> -> memref<64x128xf32, #tpu.memory_space<vmem>>
    %dma_start3A_127 = arith.constant 192 : i32
    %dma_start3A_128 = tpu.memref_slice %arg5[%dma_start3A_127] : memref<512xi32, #tpu.memory_space<vmem>> -> memref<64xi32, #tpu.memory_space<vmem>>
    %dma_start3A_129 = arith.constant 0 : i32
    %dma_start3A_130 = arith.constant 0 : i32
    %dma_start3A_131 = tpu.memref_slice %arg7[%dma_start3A_129, %dma_start3A_130] : memref<1000x128xf32, #tpu.memory_space<vmem_shared>> -> memref<1000x128xf32, #tpu.memory_space<vmem_shared>>
    %dma_start3A_132 = tpu.memref_slice %arg8[%dma_start3A_122] : memref<8x!tpu.dma_semaphore, #tpu.memory_space<semaphore_mem>> -> memref<1x!tpu.dma_semaphore, #tpu.memory_space<semaphore_mem>>
    %dma_start3A_133 = tpu.memref_squeeze %dma_start3A_132 : memref<1x!tpu.dma_semaphore, #tpu.memory_space<semaphore_mem>> -> memref<!tpu.dma_semaphore, #tpu.memory_space<semaphore_mem>>
    tpu.enqueue_indirect_dma source(%dma_start3A_131 : memref<1000x128xf32, #tpu.memory_space<vmem_shared>>) target(%dma_start3A_126 : memref<64x128xf32, #tpu.memory_space<vmem>>) offsets(%dma_start3A_128 : memref<64xi32, #tpu.memory_space<vmem>>) semaphore(%dma_start3A_133 : memref<!tpu.dma_semaphore, #tpu.memory_space<semaphore_mem>>)
    %dma_start3A_134 = arith.constant 4 : i32
    %dma_start3A_135 = arith.constant 4 : i32
    %dma_start3A_136 = arith.constant 0 : i32
    %dma_start3A_137 = arith.constant 0 : i32
    %dma_start3A_138 = tpu.memref_slice %arg6[%dma_start3A_134, %dma_start3A_136, %dma_start3A_137] : memref<8x64x128xf32, #tpu.memory_space<vmem>> -> memref<1x64x128xf32, #tpu.memory_space<vmem>>
    %dma_start3A_139 = tpu.memref_squeeze %dma_start3A_138 : memref<1x64x128xf32, #tpu.memory_space<vmem>> -> memref<64x128xf32, #tpu.memory_space<vmem>>
    %dma_start3A_140 = arith.constant 256 : i32
    %dma_start3A_141 = tpu.memref_slice %arg5[%dma_start3A_140] : memref<512xi32, #tpu.memory_space<vmem>> -> memref<64xi32, #tpu.memory_space<vmem>>
    %dma_start3A_142 = arith.constant 0 : i32
    %dma_start3A_143 = arith.constant 0 : i32
    %dma_start3A_144 = tpu.memref_slice %arg7[%dma_start3A_142, %dma_start3A_143] : memref<1000x128xf32, #tpu.memory_space<vmem_shared>> -> memref<1000x128xf32, #tpu.memory_space<vmem_shared>>
    %dma_start3A_145 = tpu.memref_slice %arg8[%dma_start3A_135] : memref<8x!tpu.dma_semaphore, #tpu.memory_space<semaphore_mem>> -> memref<1x!tpu.dma_semaphore, #tpu.memory_space<semaphore_mem>>
    %dma_start3A_146 = tpu.memref_squeeze %dma_start3A_145 : memref<1x!tpu.dma_semaphore, #tpu.memory_space<semaphore_mem>> -> memref<!tpu.dma_semaphore, #tpu.memory_space<semaphore_mem>>
    tpu.enqueue_indirect_dma source(%dma_start3A_144 : memref<1000x128xf32, #tpu.memory_space<vmem_shared>>) target(%dma_start3A_139 : memref<64x128xf32, #tpu.memory_space<vmem>>) offsets(%dma_start3A_141 : memref<64xi32, #tpu.memory_space<vmem>>) semaphore(%dma_start3A_146 : memref<!tpu.dma_semaphore, #tpu.memory_space<semaphore_mem>>)
    %dma_start3A_147 = arith.constant 5 : i32
    %dma_start3A_148 = arith.constant 5 : i32
    %dma_start3A_149 = arith.constant 0 : i32
    %dma_start3A_150 = arith.constant 0 : i32
    %dma_start3A_151 = tpu.memref_slice %arg6[%dma_start3A_147, %dma_start3A_149, %dma_start3A_150] : memref<8x64x128xf32, #tpu.memory_space<vmem>> -> memref<1x64x128xf32, #tpu.memory_space<vmem>>
    %dma_start3A_152 = tpu.memref_squeeze %dma_start3A_151 : memref<1x64x128xf32, #tpu.memory_space<vmem>> -> memref<64x128xf32, #tpu.memory_space<vmem>>
    %dma_start3A_153 = arith.constant 320 : i32
    %dma_start3A_154 = tpu.memref_slice %arg5[%dma_start3A_153] : memref<512xi32, #tpu.memory_space<vmem>> -> memref<64xi32, #tpu.memory_space<vmem>>
    %dma_start3A_155 = arith.constant 0 : i32
    %dma_start3A_156 = arith.constant 0 : i32
    %dma_start3A_157 = tpu.memref_slice %arg7[%dma_start3A_155, %dma_start3A_156] : memref<1000x128xf32, #tpu.memory_space<vmem_shared>> -> memref<1000x128xf32, #tpu.memory_space<vmem_shared>>
    %dma_start3A_158 = tpu.memref_slice %arg8[%dma_start3A_148] : memref<8x!tpu.dma_semaphore, #tpu.memory_space<semaphore_mem>> -> memref<1x!tpu.dma_semaphore, #tpu.memory_space<semaphore_mem>>
    %dma_start3A_159 = tpu.memref_squeeze %dma_start3A_158 : memref<1x!tpu.dma_semaphore, #tpu.memory_space<semaphore_mem>> -> memref<!tpu.dma_semaphore, #tpu.memory_space<semaphore_mem>>
    tpu.enqueue_indirect_dma source(%dma_start3A_157 : memref<1000x128xf32, #tpu.memory_space<vmem_shared>>) target(%dma_start3A_152 : memref<64x128xf32, #tpu.memory_space<vmem>>) offsets(%dma_start3A_154 : memref<64xi32, #tpu.memory_space<vmem>>) semaphore(%dma_start3A_159 : memref<!tpu.dma_semaphore, #tpu.memory_space<semaphore_mem>>)
    %dma_start3A_160 = arith.constant 6 : i32
    %dma_start3A_161 = arith.constant 6 : i32
    %dma_start3A_162 = arith.constant 0 : i32
    %dma_start3A_163 = arith.constant 0 : i32
    %dma_start3A_164 = tpu.memref_slice %arg6[%dma_start3A_160, %dma_start3A_162, %dma_start3A_163] : memref<8x64x128xf32, #tpu.memory_space<vmem>> -> memref<1x64x128xf32, #tpu.memory_space<vmem>>
    %dma_start3A_165 = tpu.memref_squeeze %dma_start3A_164 : memref<1x64x128xf32, #tpu.memory_space<vmem>> -> memref<64x128xf32, #tpu.memory_space<vmem>>
    %dma_start3A_166 = arith.constant 384 : i32
    %dma_start3A_167 = tpu.memref_slice %arg5[%dma_start3A_166] : memref<512xi32, #tpu.memory_space<vmem>> -> memref<64xi32, #tpu.memory_space<vmem>>
    %dma_start3A_168 = arith.constant 0 : i32
    %dma_start3A_169 = arith.constant 0 : i32
    %dma_start3A_170 = tpu.memref_slice %arg7[%dma_start3A_168, %dma_start3A_169] : memref<1000x128xf32, #tpu.memory_space<vmem_shared>> -> memref<1000x128xf32, #tpu.memory_space<vmem_shared>>
    %dma_start3A_171 = tpu.memref_slice %arg8[%dma_start3A_161] : memref<8x!tpu.dma_semaphore, #tpu.memory_space<semaphore_mem>> -> memref<1x!tpu.dma_semaphore, #tpu.memory_space<semaphore_mem>>
    %dma_start3A_172 = tpu.memref_squeeze %dma_start3A_171 : memref<1x!tpu.dma_semaphore, #tpu.memory_space<semaphore_mem>> -> memref<!tpu.dma_semaphore, #tpu.memory_space<semaphore_mem>>
    tpu.enqueue_indirect_dma source(%dma_start3A_170 : memref<1000x128xf32, #tpu.memory_space<vmem_shared>>) target(%dma_start3A_165 : memref<64x128xf32, #tpu.memory_space<vmem>>) offsets(%dma_start3A_167 : memref<64xi32, #tpu.memory_space<vmem>>) semaphore(%dma_start3A_172 : memref<!tpu.dma_semaphore, #tpu.memory_space<semaphore_mem>>)
    %dma_start3A_173 = arith.constant 7 : i32
    %dma_start3A_174 = arith.constant 7 : i32
    %dma_start3A_175 = arith.constant 0 : i32
    %dma_start3A_176 = arith.constant 0 : i32
    %dma_start3A_177 = tpu.memref_slice %arg6[%dma_start3A_173, %dma_start3A_175, %dma_start3A_176] : memref<8x64x128xf32, #tpu.memory_space<vmem>> -> memref<1x64x128xf32, #tpu.memory_space<vmem>>
    %dma_start3A_178 = tpu.memref_squeeze %dma_start3A_177 : memref<1x64x128xf32, #tpu.memory_space<vmem>> -> memref<64x128xf32, #tpu.memory_space<vmem>>
    %dma_start3A_179 = arith.constant 448 : i32
    %dma_start3A_180 = tpu.memref_slice %arg5[%dma_start3A_179] : memref<512xi32, #tpu.memory_space<vmem>> -> memref<64xi32, #tpu.memory_space<vmem>>
    %dma_start3A_181 = arith.constant 0 : i32
    %dma_start3A_182 = arith.constant 0 : i32
    %dma_start3A_183 = tpu.memref_slice %arg7[%dma_start3A_181, %dma_start3A_182] : memref<1000x128xf32, #tpu.memory_space<vmem_shared>> -> memref<1000x128xf32, #tpu.memory_space<vmem_shared>>
    %dma_start3A_184 = tpu.memref_slice %arg8[%dma_start3A_174] : memref<8x!tpu.dma_semaphore, #tpu.memory_space<semaphore_mem>> -> memref<1x!tpu.dma_semaphore, #tpu.memory_space<semaphore_mem>>
    %dma_start3A_185 = tpu.memref_squeeze %dma_start3A_184 : memref<1x!tpu.dma_semaphore, #tpu.memory_space<semaphore_mem>> -> memref<!tpu.dma_semaphore, #tpu.memory_space<semaphore_mem>>
    tpu.enqueue_indirect_dma source(%dma_start3A_183 : memref<1000x128xf32, #tpu.memory_space<vmem_shared>>) target(%dma_start3A_178 : memref<64x128xf32, #tpu.memory_space<vmem>>) offsets(%dma_start3A_180 : memref<64xi32, #tpu.memory_space<vmem>>) semaphore(%dma_start3A_185 : memref<!tpu.dma_semaphore, #tpu.memory_space<semaphore_mem>>)
    %dma_wait3A_186 = arith.constant 0 : i32
    %dma_wait3A_187 = arith.constant 0 : i32
    %dma_wait3A_188 = arith.constant 0 : i32
    %dma_wait3A_189 = arith.constant 0 : i32
    %dma_wait3A_190 = tpu.memref_slice %arg6[%dma_wait3A_186, %dma_wait3A_188, %dma_wait3A_189] : memref<8x64x128xf32, #tpu.memory_space<vmem>> -> memref<1x64x128xf32, #tpu.memory_space<vmem>>
    %dma_wait3A_191 = tpu.memref_squeeze %dma_wait3A_190 : memref<1x64x128xf32, #tpu.memory_space<vmem>> -> memref<64x128xf32, #tpu.memory_space<vmem>>
    %dma_wait3A_192 = arith.constant 0 : i32
    %dma_wait3A_193 = tpu.memref_slice %arg5[%dma_wait3A_192] : memref<512xi32, #tpu.memory_space<vmem>> -> memref<64xi32, #tpu.memory_space<vmem>>
    %dma_wait3A_194 = arith.constant 0 : i32
    %dma_wait3A_195 = arith.constant 0 : i32
    %dma_wait3A_196 = tpu.memref_slice %arg7[%dma_wait3A_194, %dma_wait3A_195] : memref<1000x128xf32, #tpu.memory_space<vmem_shared>> -> memref<1000x128xf32, #tpu.memory_space<vmem_shared>>
    %dma_wait3A_197 = tpu.memref_slice %arg8[%dma_wait3A_187] : memref<8x!tpu.dma_semaphore, #tpu.memory_space<semaphore_mem>> -> memref<1x!tpu.dma_semaphore, #tpu.memory_space<semaphore_mem>>
    %dma_wait3A_198 = tpu.memref_squeeze %dma_wait3A_197 : memref<1x!tpu.dma_semaphore, #tpu.memory_space<semaphore_mem>> -> memref<!tpu.dma_semaphore, #tpu.memory_space<semaphore_mem>>
    tpu.wait_indirect_dma semaphore(%dma_wait3A_198 : memref<!tpu.dma_semaphore, #tpu.memory_space<semaphore_mem>>) src(%dma_wait3A_196 : memref<1000x128xf32, #tpu.memory_space<vmem_shared>>) dst(%dma_wait3A_191 : memref<64x128xf32, #tpu.memory_space<vmem>>)
    %add3A_199 = arith.constant 0 : i32
    %add3A_200 = arith.addi %mul3A_2, %add3A_199 : i32
    %dma_start3A_201 = arith.constant 0 : i32
    %dma_start3A_202 = arith.constant 0 : i32
    %dma_start3A_203 = arith.constant 0 : i32
    %dma_start3A_204 = arith.constant 0 : i32
    %dma_start3A_205 = tpu.memref_slice %arg6[%dma_start3A_201, %dma_start3A_203, %dma_start3A_204] : memref<8x64x128xf32, #tpu.memory_space<vmem>> -> memref<1x64x128xf32, #tpu.memory_space<vmem>>
    %dma_start3A_206 = tpu.memref_squeeze %dma_start3A_205 : memref<1x64x128xf32, #tpu.memory_space<vmem>> -> memref<64x128xf32, #tpu.memory_space<vmem>>
    %dma_start3A_207 = arith.constant 0 : i32
    %dma_start3A_208 = tpu.memref_slice %arg4[%add3A_200, %dma_start3A_207] : memref<16384x128xf32, #tpu.memory_space<hbm>> -> memref<64x128xf32, #tpu.memory_space<hbm>>
    %dma_start3A_209 = tpu.memref_slice %arg9[%dma_start3A_202] : memref<8x!tpu.dma_semaphore, #tpu.memory_space<semaphore_mem>> -> memref<1x!tpu.dma_semaphore, #tpu.memory_space<semaphore_mem>>
    %dma_start3A_210 = tpu.memref_squeeze %dma_start3A_209 : memref<1x!tpu.dma_semaphore, #tpu.memory_space<semaphore_mem>> -> memref<!tpu.dma_semaphore, #tpu.memory_space<semaphore_mem>>
    %dma_start3A_211 = arith.constant 0 : i32
    %dma_start3A_212 = tpu.memref_slice %arg4[%add3A_200, %dma_start3A_211] : memref<16384x128xf32, #tpu.memory_space<hbm>> -> memref<64x128xf32, #tpu.memory_space<hbm>>
    %dma_start3A_213 = arith.constant 0 : i32
    %dma_start3A_214 = arith.constant 0 : i32
    %dma_start3A_215 = tpu.memref_slice %arg6[%dma_start3A_201, %dma_start3A_213, %dma_start3A_214] : memref<8x64x128xf32, #tpu.memory_space<vmem>> -> memref<1x64x128xf32, #tpu.memory_space<vmem>>
    %dma_start3A_216 = tpu.memref_squeeze %dma_start3A_215 : memref<1x64x128xf32, #tpu.memory_space<vmem>> -> memref<64x128xf32, #tpu.memory_space<vmem>>
    tpu.enqueue_dma source(%dma_start3A_216 : memref<64x128xf32, #tpu.memory_space<vmem>>) target(%dma_start3A_212 : memref<64x128xf32, #tpu.memory_space<hbm>>) target_semaphore(%dma_start3A_210 : memref<!tpu.dma_semaphore, #tpu.memory_space<semaphore_mem>>)
    %dma_wait3A_217 = arith.constant 1 : i32
    %dma_wait3A_218 = arith.constant 1 : i32
    %dma_wait3A_219 = arith.constant 0 : i32
    %dma_wait3A_220 = arith.constant 0 : i32
    %dma_wait3A_221 = tpu.memref_slice %arg6[%dma_wait3A_217, %dma_wait3A_219, %dma_wait3A_220] : memref<8x64x128xf32, #tpu.memory_space<vmem>> -> memref<1x64x128xf32, #tpu.memory_space<vmem>>
    %dma_wait3A_222 = tpu.memref_squeeze %dma_wait3A_221 : memref<1x64x128xf32, #tpu.memory_space<vmem>> -> memref<64x128xf32, #tpu.memory_space<vmem>>
    %dma_wait3A_223 = arith.constant 64 : i32
    %dma_wait3A_224 = tpu.memref_slice %arg5[%dma_wait3A_223] : memref<512xi32, #tpu.memory_space<vmem>> -> memref<64xi32, #tpu.memory_space<vmem>>
    %dma_wait3A_225 = arith.constant 0 : i32
    %dma_wait3A_226 = arith.constant 0 : i32
    %dma_wait3A_227 = tpu.memref_slice %arg7[%dma_wait3A_225, %dma_wait3A_226] : memref<1000x128xf32, #tpu.memory_space<vmem_shared>> -> memref<1000x128xf32, #tpu.memory_space<vmem_shared>>
    %dma_wait3A_228 = tpu.memref_slice %arg8[%dma_wait3A_218] : memref<8x!tpu.dma_semaphore, #tpu.memory_space<semaphore_mem>> -> memref<1x!tpu.dma_semaphore, #tpu.memory_space<semaphore_mem>>
    %dma_wait3A_229 = tpu.memref_squeeze %dma_wait3A_228 : memref<1x!tpu.dma_semaphore, #tpu.memory_space<semaphore_mem>> -> memref<!tpu.dma_semaphore, #tpu.memory_space<semaphore_mem>>
    tpu.wait_indirect_dma semaphore(%dma_wait3A_229 : memref<!tpu.dma_semaphore, #tpu.memory_space<semaphore_mem>>) src(%dma_wait3A_227 : memref<1000x128xf32, #tpu.memory_space<vmem_shared>>) dst(%dma_wait3A_222 : memref<64x128xf32, #tpu.memory_space<vmem>>)
    %add3A_230 = arith.constant 64 : i32
    %add3A_231 = arith.addi %mul3A_2, %add3A_230 : i32
    %dma_start3A_232 = arith.constant 1 : i32
    %dma_start3A_233 = arith.constant 1 : i32
    %dma_start3A_234 = arith.constant 0 : i32
    %dma_start3A_235 = arith.constant 0 : i32
    %dma_start3A_236 = tpu.memref_slice %arg6[%dma_start3A_232, %dma_start3A_234, %dma_start3A_235] : memref<8x64x128xf32, #tpu.memory_space<vmem>> -> memref<1x64x128xf32, #tpu.memory_space<vmem>>
    %dma_start3A_237 = tpu.memref_squeeze %dma_start3A_236 : memref<1x64x128xf32, #tpu.memory_space<vmem>> -> memref<64x128xf32, #tpu.memory_space<vmem>>
    %dma_start3A_238 = arith.constant 0 : i32
    %dma_start3A_239 = tpu.memref_slice %arg4[%add3A_231, %dma_start3A_238] : memref<16384x128xf32, #tpu.memory_space<hbm>> -> memref<64x128xf32, #tpu.memory_space<hbm>>
    %dma_start3A_240 = tpu.memref_slice %arg9[%dma_start3A_233] : memref<8x!tpu.dma_semaphore, #tpu.memory_space<semaphore_mem>> -> memref<1x!tpu.dma_semaphore, #tpu.memory_space<semaphore_mem>>
    %dma_start3A_241 = tpu.memref_squeeze %dma_start3A_240 : memref<1x!tpu.dma_semaphore, #tpu.memory_space<semaphore_mem>> -> memref<!tpu.dma_semaphore, #tpu.memory_space<semaphore_mem>>
    %dma_start3A_242 = arith.constant 0 : i32
    %dma_start3A_243 = tpu.memref_slice %arg4[%add3A_231, %dma_start3A_242] : memref<16384x128xf32, #tpu.memory_space<hbm>> -> memref<64x128xf32, #tpu.memory_space<hbm>>
    %dma_start3A_244 = arith.constant 0 : i32
    %dma_start3A_245 = arith.constant 0 : i32
    %dma_start3A_246 = tpu.memref_slice %arg6[%dma_start3A_232, %dma_start3A_244, %dma_start3A_245] : memref<8x64x128xf32, #tpu.memory_space<vmem>> -> memref<1x64x128xf32, #tpu.memory_space<vmem>>
    %dma_start3A_247 = tpu.memref_squeeze %dma_start3A_246 : memref<1x64x128xf32, #tpu.memory_space<vmem>> -> memref<64x128xf32, #tpu.memory_space<vmem>>
    tpu.enqueue_dma source(%dma_start3A_247 : memref<64x128xf32, #tpu.memory_space<vmem>>) target(%dma_start3A_243 : memref<64x128xf32, #tpu.memory_space<hbm>>) target_semaphore(%dma_start3A_241 : memref<!tpu.dma_semaphore, #tpu.memory_space<semaphore_mem>>)
    %dma_wait3A_248 = arith.constant 2 : i32
    %dma_wait3A_249 = arith.constant 2 : i32
    %dma_wait3A_250 = arith.constant 0 : i32
    %dma_wait3A_251 = arith.constant 0 : i32
    %dma_wait3A_252 = tpu.memref_slice %arg6[%dma_wait3A_248, %dma_wait3A_250, %dma_wait3A_251] : memref<8x64x128xf32, #tpu.memory_space<vmem>> -> memref<1x64x128xf32, #tpu.memory_space<vmem>>
    %dma_wait3A_253 = tpu.memref_squeeze %dma_wait3A_252 : memref<1x64x128xf32, #tpu.memory_space<vmem>> -> memref<64x128xf32, #tpu.memory_space<vmem>>
    %dma_wait3A_254 = arith.constant 128 : i32
    %dma_wait3A_255 = tpu.memref_slice %arg5[%dma_wait3A_254] : memref<512xi32, #tpu.memory_space<vmem>> -> memref<64xi32, #tpu.memory_space<vmem>>
    %dma_wait3A_256 = arith.constant 0 : i32
    %dma_wait3A_257 = arith.constant 0 : i32
    %dma_wait3A_258 = tpu.memref_slice %arg7[%dma_wait3A_256, %dma_wait3A_257] : memref<1000x128xf32, #tpu.memory_space<vmem_shared>> -> memref<1000x128xf32, #tpu.memory_space<vmem_shared>>
    %dma_wait3A_259 = tpu.memref_slice %arg8[%dma_wait3A_249] : memref<8x!tpu.dma_semaphore, #tpu.memory_space<semaphore_mem>> -> memref<1x!tpu.dma_semaphore, #tpu.memory_space<semaphore_mem>>
    %dma_wait3A_260 = tpu.memref_squeeze %dma_wait3A_259 : memref<1x!tpu.dma_semaphore, #tpu.memory_space<semaphore_mem>> -> memref<!tpu.dma_semaphore, #tpu.memory_space<semaphore_mem>>
    tpu.wait_indirect_dma semaphore(%dma_wait3A_260 : memref<!tpu.dma_semaphore, #tpu.memory_space<semaphore_mem>>) src(%dma_wait3A_258 : memref<1000x128xf32, #tpu.memory_space<vmem_shared>>) dst(%dma_wait3A_253 : memref<64x128xf32, #tpu.memory_space<vmem>>)
    %add3A_261 = arith.constant 128 : i32
    %add3A_262 = arith.addi %mul3A_2, %add3A_261 : i32
    %dma_start3A_263 = arith.constant 2 : i32
    %dma_start3A_264 = arith.constant 2 : i32
    %dma_start3A_265 = arith.constant 0 : i32
    %dma_start3A_266 = arith.constant 0 : i32
    %dma_start3A_267 = tpu.memref_slice %arg6[%dma_start3A_263, %dma_start3A_265, %dma_start3A_266] : memref<8x64x128xf32, #tpu.memory_space<vmem>> -> memref<1x64x128xf32, #tpu.memory_space<vmem>>
    %dma_start3A_268 = tpu.memref_squeeze %dma_start3A_267 : memref<1x64x128xf32, #tpu.memory_space<vmem>> -> memref<64x128xf32, #tpu.memory_space<vmem>>
    %dma_start3A_269 = arith.constant 0 : i32
    %dma_start3A_270 = tpu.memref_slice %arg4[%add3A_262, %dma_start3A_269] : memref<16384x128xf32, #tpu.memory_space<hbm>> -> memref<64x128xf32, #tpu.memory_space<hbm>>
    %dma_start3A_271 = tpu.memref_slice %arg9[%dma_start3A_264] : memref<8x!tpu.dma_semaphore, #tpu.memory_space<semaphore_mem>> -> memref<1x!tpu.dma_semaphore, #tpu.memory_space<semaphore_mem>>
    %dma_start3A_272 = tpu.memref_squeeze %dma_start3A_271 : memref<1x!tpu.dma_semaphore, #tpu.memory_space<semaphore_mem>> -> memref<!tpu.dma_semaphore, #tpu.memory_space<semaphore_mem>>
    %dma_start3A_273 = arith.constant 0 : i32
    %dma_start3A_274 = tpu.memref_slice %arg4[%add3A_262, %dma_start3A_273] : memref<16384x128xf32, #tpu.memory_space<hbm>> -> memref<64x128xf32, #tpu.memory_space<hbm>>
    %dma_start3A_275 = arith.constant 0 : i32
    %dma_start3A_276 = arith.constant 0 : i32
    %dma_start3A_277 = tpu.memref_slice %arg6[%dma_start3A_263, %dma_start3A_275, %dma_start3A_276] : memref<8x64x128xf32, #tpu.memory_space<vmem>> -> memref<1x64x128xf32, #tpu.memory_space<vmem>>
    %dma_start3A_278 = tpu.memref_squeeze %dma_start3A_277 : memref<1x64x128xf32, #tpu.memory_space<vmem>> -> memref<64x128xf32, #tpu.memory_space<vmem>>
    tpu.enqueue_dma source(%dma_start3A_278 : memref<64x128xf32, #tpu.memory_space<vmem>>) target(%dma_start3A_274 : memref<64x128xf32, #tpu.memory_space<hbm>>) target_semaphore(%dma_start3A_272 : memref<!tpu.dma_semaphore, #tpu.memory_space<semaphore_mem>>)
    %dma_wait3A_279 = arith.constant 3 : i32
    %dma_wait3A_280 = arith.constant 3 : i32
    %dma_wait3A_281 = arith.constant 0 : i32
    %dma_wait3A_282 = arith.constant 0 : i32
    %dma_wait3A_283 = tpu.memref_slice %arg6[%dma_wait3A_279, %dma_wait3A_281, %dma_wait3A_282] : memref<8x64x128xf32, #tpu.memory_space<vmem>> -> memref<1x64x128xf32, #tpu.memory_space<vmem>>
    %dma_wait3A_284 = tpu.memref_squeeze %dma_wait3A_283 : memref<1x64x128xf32, #tpu.memory_space<vmem>> -> memref<64x128xf32, #tpu.memory_space<vmem>>
    %dma_wait3A_285 = arith.constant 192 : i32
    %dma_wait3A_286 = tpu.memref_slice %arg5[%dma_wait3A_285] : memref<512xi32, #tpu.memory_space<vmem>> -> memref<64xi32, #tpu.memory_space<vmem>>
    %dma_wait3A_287 = arith.constant 0 : i32
    %dma_wait3A_288 = arith.constant 0 : i32
    %dma_wait3A_289 = tpu.memref_slice %arg7[%dma_wait3A_287, %dma_wait3A_288] : memref<1000x128xf32, #tpu.memory_space<vmem_shared>> -> memref<1000x128xf32, #tpu.memory_space<vmem_shared>>
    %dma_wait3A_290 = tpu.memref_slice %arg8[%dma_wait3A_280] : memref<8x!tpu.dma_semaphore, #tpu.memory_space<semaphore_mem>> -> memref<1x!tpu.dma_semaphore, #tpu.memory_space<semaphore_mem>>
    %dma_wait3A_291 = tpu.memref_squeeze %dma_wait3A_290 : memref<1x!tpu.dma_semaphore, #tpu.memory_space<semaphore_mem>> -> memref<!tpu.dma_semaphore, #tpu.memory_space<semaphore_mem>>
    tpu.wait_indirect_dma semaphore(%dma_wait3A_291 : memref<!tpu.dma_semaphore, #tpu.memory_space<semaphore_mem>>) src(%dma_wait3A_289 : memref<1000x128xf32, #tpu.memory_space<vmem_shared>>) dst(%dma_wait3A_284 : memref<64x128xf32, #tpu.memory_space<vmem>>)
    %add3A_292 = arith.constant 192 : i32
    %add3A_293 = arith.addi %mul3A_2, %add3A_292 : i32
    %dma_start3A_294 = arith.constant 3 : i32
    %dma_start3A_295 = arith.constant 3 : i32
    %dma_start3A_296 = arith.constant 0 : i32
    %dma_start3A_297 = arith.constant 0 : i32
    %dma_start3A_298 = tpu.memref_slice %arg6[%dma_start3A_294, %dma_start3A_296, %dma_start3A_297] : memref<8x64x128xf32, #tpu.memory_space<vmem>> -> memref<1x64x128xf32, #tpu.memory_space<vmem>>
    %dma_start3A_299 = tpu.memref_squeeze %dma_start3A_298 : memref<1x64x128xf32, #tpu.memory_space<vmem>> -> memref<64x128xf32, #tpu.memory_space<vmem>>
    %dma_start3A_300 = arith.constant 0 : i32
    %dma_start3A_301 = tpu.memref_slice %arg4[%add3A_293, %dma_start3A_300] : memref<16384x128xf32, #tpu.memory_space<hbm>> -> memref<64x128xf32, #tpu.memory_space<hbm>>
    %dma_start3A_302 = tpu.memref_slice %arg9[%dma_start3A_295] : memref<8x!tpu.dma_semaphore, #tpu.memory_space<semaphore_mem>> -> memref<1x!tpu.dma_semaphore, #tpu.memory_space<semaphore_mem>>
    %dma_start3A_303 = tpu.memref_squeeze %dma_start3A_302 : memref<1x!tpu.dma_semaphore, #tpu.memory_space<semaphore_mem>> -> memref<!tpu.dma_semaphore, #tpu.memory_space<semaphore_mem>>
    %dma_start3A_304 = arith.constant 0 : i32
    %dma_start3A_305 = tpu.memref_slice %arg4[%add3A_293, %dma_start3A_304] : memref<16384x128xf32, #tpu.memory_space<hbm>> -> memref<64x128xf32, #tpu.memory_space<hbm>>
    %dma_start3A_306 = arith.constant 0 : i32
    %dma_start3A_307 = arith.constant 0 : i32
    %dma_start3A_308 = tpu.memref_slice %arg6[%dma_start3A_294, %dma_start3A_306, %dma_start3A_307] : memref<8x64x128xf32, #tpu.memory_space<vmem>> -> memref<1x64x128xf32, #tpu.memory_space<vmem>>
    %dma_start3A_309 = tpu.memref_squeeze %dma_start3A_308 : memref<1x64x128xf32, #tpu.memory_space<vmem>> -> memref<64x128xf32, #tpu.memory_space<vmem>>
    tpu.enqueue_dma source(%dma_start3A_309 : memref<64x128xf32, #tpu.memory_space<vmem>>) target(%dma_start3A_305 : memref<64x128xf32, #tpu.memory_space<hbm>>) target_semaphore(%dma_start3A_303 : memref<!tpu.dma_semaphore, #tpu.memory_space<semaphore_mem>>)
    %dma_wait3A_310 = arith.constant 4 : i32
    %dma_wait3A_311 = arith.constant 4 : i32
    %dma_wait3A_312 = arith.constant 0 : i32
    %dma_wait3A_313 = arith.constant 0 : i32
    %dma_wait3A_314 = tpu.memref_slice %arg6[%dma_wait3A_310, %dma_wait3A_312, %dma_wait3A_313] : memref<8x64x128xf32, #tpu.memory_space<vmem>> -> memref<1x64x128xf32, #tpu.memory_space<vmem>>
    %dma_wait3A_315 = tpu.memref_squeeze %dma_wait3A_314 : memref<1x64x128xf32, #tpu.memory_space<vmem>> -> memref<64x128xf32, #tpu.memory_space<vmem>>
    %dma_wait3A_316 = arith.constant 256 : i32
    %dma_wait3A_317 = tpu.memref_slice %arg5[%dma_wait3A_316] : memref<512xi32, #tpu.memory_space<vmem>> -> memref<64xi32, #tpu.memory_space<vmem>>
    %dma_wait3A_318 = arith.constant 0 : i32
    %dma_wait3A_319 = arith.constant 0 : i32
    %dma_wait3A_320 = tpu.memref_slice %arg7[%dma_wait3A_318, %dma_wait3A_319] : memref<1000x128xf32, #tpu.memory_space<vmem_shared>> -> memref<1000x128xf32, #tpu.memory_space<vmem_shared>>
    %dma_wait3A_321 = tpu.memref_slice %arg8[%dma_wait3A_311] : memref<8x!tpu.dma_semaphore, #tpu.memory_space<semaphore_mem>> -> memref<1x!tpu.dma_semaphore, #tpu.memory_space<semaphore_mem>>
    %dma_wait3A_322 = tpu.memref_squeeze %dma_wait3A_321 : memref<1x!tpu.dma_semaphore, #tpu.memory_space<semaphore_mem>> -> memref<!tpu.dma_semaphore, #tpu.memory_space<semaphore_mem>>
    tpu.wait_indirect_dma semaphore(%dma_wait3A_322 : memref<!tpu.dma_semaphore, #tpu.memory_space<semaphore_mem>>) src(%dma_wait3A_320 : memref<1000x128xf32, #tpu.memory_space<vmem_shared>>) dst(%dma_wait3A_315 : memref<64x128xf32, #tpu.memory_space<vmem>>)
    %add3A_323 = arith.constant 256 : i32
    %add3A_324 = arith.addi %mul3A_2, %add3A_323 : i32
    %dma_start3A_325 = arith.constant 4 : i32
    %dma_start3A_326 = arith.constant 4 : i32
    %dma_start3A_327 = arith.constant 0 : i32
    %dma_start3A_328 = arith.constant 0 : i32
    %dma_start3A_329 = tpu.memref_slice %arg6[%dma_start3A_325, %dma_start3A_327, %dma_start3A_328] : memref<8x64x128xf32, #tpu.memory_space<vmem>> -> memref<1x64x128xf32, #tpu.memory_space<vmem>>
    %dma_start3A_330 = tpu.memref_squeeze %dma_start3A_329 : memref<1x64x128xf32, #tpu.memory_space<vmem>> -> memref<64x128xf32, #tpu.memory_space<vmem>>
    %dma_start3A_331 = arith.constant 0 : i32
    %dma_start3A_332 = tpu.memref_slice %arg4[%add3A_324, %dma_start3A_331] : memref<16384x128xf32, #tpu.memory_space<hbm>> -> memref<64x128xf32, #tpu.memory_space<hbm>>
    %dma_start3A_333 = tpu.memref_slice %arg9[%dma_start3A_326] : memref<8x!tpu.dma_semaphore, #tpu.memory_space<semaphore_mem>> -> memref<1x!tpu.dma_semaphore, #tpu.memory_space<semaphore_mem>>
    %dma_start3A_334 = tpu.memref_squeeze %dma_start3A_333 : memref<1x!tpu.dma_semaphore, #tpu.memory_space<semaphore_mem>> -> memref<!tpu.dma_semaphore, #tpu.memory_space<semaphore_mem>>
    %dma_start3A_335 = arith.constant 0 : i32
    %dma_start3A_336 = tpu.memref_slice %arg4[%add3A_324, %dma_start3A_335] : memref<16384x128xf32, #tpu.memory_space<hbm>> -> memref<64x128xf32, #tpu.memory_space<hbm>>
    %dma_start3A_337 = arith.constant 0 : i32
    %dma_start3A_338 = arith.constant 0 : i32
    %dma_start3A_339 = tpu.memref_slice %arg6[%dma_start3A_325, %dma_start3A_337, %dma_start3A_338] : memref<8x64x128xf32, #tpu.memory_space<vmem>> -> memref<1x64x128xf32, #tpu.memory_space<vmem>>
    %dma_start3A_340 = tpu.memref_squeeze %dma_start3A_339 : memref<1x64x128xf32, #tpu.memory_space<vmem>> -> memref<64x128xf32, #tpu.memory_space<vmem>>
    tpu.enqueue_dma source(%dma_start3A_340 : memref<64x128xf32, #tpu.memory_space<vmem>>) target(%dma_start3A_336 : memref<64x128xf32, #tpu.memory_space<hbm>>) target_semaphore(%dma_start3A_334 : memref<!tpu.dma_semaphore, #tpu.memory_space<semaphore_mem>>)
    %dma_wait3A_341 = arith.constant 5 : i32
    %dma_wait3A_342 = arith.constant 5 : i32
    %dma_wait3A_343 = arith.constant 0 : i32
    %dma_wait3A_344 = arith.constant 0 : i32
    %dma_wait3A_345 = tpu.memref_slice %arg6[%dma_wait3A_341, %dma_wait3A_343, %dma_wait3A_344] : memref<8x64x128xf32, #tpu.memory_space<vmem>> -> memref<1x64x128xf32, #tpu.memory_space<vmem>>
    %dma_wait3A_346 = tpu.memref_squeeze %dma_wait3A_345 : memref<1x64x128xf32, #tpu.memory_space<vmem>> -> memref<64x128xf32, #tpu.memory_space<vmem>>
    %dma_wait3A_347 = arith.constant 320 : i32
    %dma_wait3A_348 = tpu.memref_slice %arg5[%dma_wait3A_347] : memref<512xi32, #tpu.memory_space<vmem>> -> memref<64xi32, #tpu.memory_space<vmem>>
    %dma_wait3A_349 = arith.constant 0 : i32
    %dma_wait3A_350 = arith.constant 0 : i32
    %dma_wait3A_351 = tpu.memref_slice %arg7[%dma_wait3A_349, %dma_wait3A_350] : memref<1000x128xf32, #tpu.memory_space<vmem_shared>> -> memref<1000x128xf32, #tpu.memory_space<vmem_shared>>
    %dma_wait3A_352 = tpu.memref_slice %arg8[%dma_wait3A_342] : memref<8x!tpu.dma_semaphore, #tpu.memory_space<semaphore_mem>> -> memref<1x!tpu.dma_semaphore, #tpu.memory_space<semaphore_mem>>
    %dma_wait3A_353 = tpu.memref_squeeze %dma_wait3A_352 : memref<1x!tpu.dma_semaphore, #tpu.memory_space<semaphore_mem>> -> memref<!tpu.dma_semaphore, #tpu.memory_space<semaphore_mem>>
    tpu.wait_indirect_dma semaphore(%dma_wait3A_353 : memref<!tpu.dma_semaphore, #tpu.memory_space<semaphore_mem>>) src(%dma_wait3A_351 : memref<1000x128xf32, #tpu.memory_space<vmem_shared>>) dst(%dma_wait3A_346 : memref<64x128xf32, #tpu.memory_space<vmem>>)
    %add3A_354 = arith.constant 320 : i32
    %add3A_355 = arith.addi %mul3A_2, %add3A_354 : i32
    %dma_start3A_356 = arith.constant 5 : i32
    %dma_start3A_357 = arith.constant 5 : i32
    %dma_start3A_358 = arith.constant 0 : i32
    %dma_start3A_359 = arith.constant 0 : i32
    %dma_start3A_360 = tpu.memref_slice %arg6[%dma_start3A_356, %dma_start3A_358, %dma_start3A_359] : memref<8x64x128xf32, #tpu.memory_space<vmem>> -> memref<1x64x128xf32, #tpu.memory_space<vmem>>
    %dma_start3A_361 = tpu.memref_squeeze %dma_start3A_360 : memref<1x64x128xf32, #tpu.memory_space<vmem>> -> memref<64x128xf32, #tpu.memory_space<vmem>>
    %dma_start3A_362 = arith.constant 0 : i32
    %dma_start3A_363 = tpu.memref_slice %arg4[%add3A_355, %dma_start3A_362] : memref<16384x128xf32, #tpu.memory_space<hbm>> -> memref<64x128xf32, #tpu.memory_space<hbm>>
    %dma_start3A_364 = tpu.memref_slice %arg9[%dma_start3A_357] : memref<8x!tpu.dma_semaphore, #tpu.memory_space<semaphore_mem>> -> memref<1x!tpu.dma_semaphore, #tpu.memory_space<semaphore_mem>>
    %dma_start3A_365 = tpu.memref_squeeze %dma_start3A_364 : memref<1x!tpu.dma_semaphore, #tpu.memory_space<semaphore_mem>> -> memref<!tpu.dma_semaphore, #tpu.memory_space<semaphore_mem>>
    %dma_start3A_366 = arith.constant 0 : i32
    %dma_start3A_367 = tpu.memref_slice %arg4[%add3A_355, %dma_start3A_366] : memref<16384x128xf32, #tpu.memory_space<hbm>> -> memref<64x128xf32, #tpu.memory_space<hbm>>
    %dma_start3A_368 = arith.constant 0 : i32
    %dma_start3A_369 = arith.constant 0 : i32
    %dma_start3A_370 = tpu.memref_slice %arg6[%dma_start3A_356, %dma_start3A_368, %dma_start3A_369] : memref<8x64x128xf32, #tpu.memory_space<vmem>> -> memref<1x64x128xf32, #tpu.memory_space<vmem>>
    %dma_start3A_371 = tpu.memref_squeeze %dma_start3A_370 : memref<1x64x128xf32, #tpu.memory_space<vmem>> -> memref<64x128xf32, #tpu.memory_space<vmem>>
    tpu.enqueue_dma source(%dma_start3A_371 : memref<64x128xf32, #tpu.memory_space<vmem>>) target(%dma_start3A_367 : memref<64x128xf32, #tpu.memory_space<hbm>>) target_semaphore(%dma_start3A_365 : memref<!tpu.dma_semaphore, #tpu.memory_space<semaphore_mem>>)
    %dma_wait3A_372 = arith.constant 6 : i32
    %dma_wait3A_373 = arith.constant 6 : i32
    %dma_wait3A_374 = arith.constant 0 : i32
    %dma_wait3A_375 = arith.constant 0 : i32
    %dma_wait3A_376 = tpu.memref_slice %arg6[%dma_wait3A_372, %dma_wait3A_374, %dma_wait3A_375] : memref<8x64x128xf32, #tpu.memory_space<vmem>> -> memref<1x64x128xf32, #tpu.memory_space<vmem>>
    %dma_wait3A_377 = tpu.memref_squeeze %dma_wait3A_376 : memref<1x64x128xf32, #tpu.memory_space<vmem>> -> memref<64x128xf32, #tpu.memory_space<vmem>>
    %dma_wait3A_378 = arith.constant 384 : i32
    %dma_wait3A_379 = tpu.memref_slice %arg5[%dma_wait3A_378] : memref<512xi32, #tpu.memory_space<vmem>> -> memref<64xi32, #tpu.memory_space<vmem>>
    %dma_wait3A_380 = arith.constant 0 : i32
    %dma_wait3A_381 = arith.constant 0 : i32
    %dma_wait3A_382 = tpu.memref_slice %arg7[%dma_wait3A_380, %dma_wait3A_381] : memref<1000x128xf32, #tpu.memory_space<vmem_shared>> -> memref<1000x128xf32, #tpu.memory_space<vmem_shared>>
    %dma_wait3A_383 = tpu.memref_slice %arg8[%dma_wait3A_373] : memref<8x!tpu.dma_semaphore, #tpu.memory_space<semaphore_mem>> -> memref<1x!tpu.dma_semaphore, #tpu.memory_space<semaphore_mem>>
    %dma_wait3A_384 = tpu.memref_squeeze %dma_wait3A_383 : memref<1x!tpu.dma_semaphore, #tpu.memory_space<semaphore_mem>> -> memref<!tpu.dma_semaphore, #tpu.memory_space<semaphore_mem>>
    tpu.wait_indirect_dma semaphore(%dma_wait3A_384 : memref<!tpu.dma_semaphore, #tpu.memory_space<semaphore_mem>>) src(%dma_wait3A_382 : memref<1000x128xf32, #tpu.memory_space<vmem_shared>>) dst(%dma_wait3A_377 : memref<64x128xf32, #tpu.memory_space<vmem>>)
    %add3A_385 = arith.constant 384 : i32
    %add3A_386 = arith.addi %mul3A_2, %add3A_385 : i32
    %dma_start3A_387 = arith.constant 6 : i32
    %dma_start3A_388 = arith.constant 6 : i32
    %dma_start3A_389 = arith.constant 0 : i32
    %dma_start3A_390 = arith.constant 0 : i32
    %dma_start3A_391 = tpu.memref_slice %arg6[%dma_start3A_387, %dma_start3A_389, %dma_start3A_390] : memref<8x64x128xf32, #tpu.memory_space<vmem>> -> memref<1x64x128xf32, #tpu.memory_space<vmem>>
    %dma_start3A_392 = tpu.memref_squeeze %dma_start3A_391 : memref<1x64x128xf32, #tpu.memory_space<vmem>> -> memref<64x128xf32, #tpu.memory_space<vmem>>
    %dma_start3A_393 = arith.constant 0 : i32
    %dma_start3A_394 = tpu.memref_slice %arg4[%add3A_386, %dma_start3A_393] : memref<16384x128xf32, #tpu.memory_space<hbm>> -> memref<64x128xf32, #tpu.memory_space<hbm>>
    %dma_start3A_395 = tpu.memref_slice %arg9[%dma_start3A_388] : memref<8x!tpu.dma_semaphore, #tpu.memory_space<semaphore_mem>> -> memref<1x!tpu.dma_semaphore, #tpu.memory_space<semaphore_mem>>
    %dma_start3A_396 = tpu.memref_squeeze %dma_start3A_395 : memref<1x!tpu.dma_semaphore, #tpu.memory_space<semaphore_mem>> -> memref<!tpu.dma_semaphore, #tpu.memory_space<semaphore_mem>>
    %dma_start3A_397 = arith.constant 0 : i32
    %dma_start3A_398 = tpu.memref_slice %arg4[%add3A_386, %dma_start3A_397] : memref<16384x128xf32, #tpu.memory_space<hbm>> -> memref<64x128xf32, #tpu.memory_space<hbm>>
    %dma_start3A_399 = arith.constant 0 : i32
    %dma_start3A_400 = arith.constant 0 : i32
    %dma_start3A_401 = tpu.memref_slice %arg6[%dma_start3A_387, %dma_start3A_399, %dma_start3A_400] : memref<8x64x128xf32, #tpu.memory_space<vmem>> -> memref<1x64x128xf32, #tpu.memory_space<vmem>>
    %dma_start3A_402 = tpu.memref_squeeze %dma_start3A_401 : memref<1x64x128xf32, #tpu.memory_space<vmem>> -> memref<64x128xf32, #tpu.memory_space<vmem>>
    tpu.enqueue_dma source(%dma_start3A_402 : memref<64x128xf32, #tpu.memory_space<vmem>>) target(%dma_start3A_398 : memref<64x128xf32, #tpu.memory_space<hbm>>) target_semaphore(%dma_start3A_396 : memref<!tpu.dma_semaphore, #tpu.memory_space<semaphore_mem>>)
    %dma_wait3A_403 = arith.constant 7 : i32
    %dma_wait3A_404 = arith.constant 7 : i32
    %dma_wait3A_405 = arith.constant 0 : i32
    %dma_wait3A_406 = arith.constant 0 : i32
    %dma_wait3A_407 = tpu.memref_slice %arg6[%dma_wait3A_403, %dma_wait3A_405, %dma_wait3A_406] : memref<8x64x128xf32, #tpu.memory_space<vmem>> -> memref<1x64x128xf32, #tpu.memory_space<vmem>>
    %dma_wait3A_408 = tpu.memref_squeeze %dma_wait3A_407 : memref<1x64x128xf32, #tpu.memory_space<vmem>> -> memref<64x128xf32, #tpu.memory_space<vmem>>
    %dma_wait3A_409 = arith.constant 448 : i32
    %dma_wait3A_410 = tpu.memref_slice %arg5[%dma_wait3A_409] : memref<512xi32, #tpu.memory_space<vmem>> -> memref<64xi32, #tpu.memory_space<vmem>>
    %dma_wait3A_411 = arith.constant 0 : i32
    %dma_wait3A_412 = arith.constant 0 : i32
    %dma_wait3A_413 = tpu.memref_slice %arg7[%dma_wait3A_411, %dma_wait3A_412] : memref<1000x128xf32, #tpu.memory_space<vmem_shared>> -> memref<1000x128xf32, #tpu.memory_space<vmem_shared>>
    %dma_wait3A_414 = tpu.memref_slice %arg8[%dma_wait3A_404] : memref<8x!tpu.dma_semaphore, #tpu.memory_space<semaphore_mem>> -> memref<1x!tpu.dma_semaphore, #tpu.memory_space<semaphore_mem>>
    %dma_wait3A_415 = tpu.memref_squeeze %dma_wait3A_414 : memref<1x!tpu.dma_semaphore, #tpu.memory_space<semaphore_mem>> -> memref<!tpu.dma_semaphore, #tpu.memory_space<semaphore_mem>>
    tpu.wait_indirect_dma semaphore(%dma_wait3A_415 : memref<!tpu.dma_semaphore, #tpu.memory_space<semaphore_mem>>) src(%dma_wait3A_413 : memref<1000x128xf32, #tpu.memory_space<vmem_shared>>) dst(%dma_wait3A_408 : memref<64x128xf32, #tpu.memory_space<vmem>>)
    %add3A_416 = arith.constant 448 : i32
    %add3A_417 = arith.addi %mul3A_2, %add3A_416 : i32
    %dma_start3A_418 = arith.constant 7 : i32
    %dma_start3A_419 = arith.constant 7 : i32
    %dma_start3A_420 = arith.constant 0 : i32
    %dma_start3A_421 = arith.constant 0 : i32
    %dma_start3A_422 = tpu.memref_slice %arg6[%dma_start3A_418, %dma_start3A_420, %dma_start3A_421] : memref<8x64x128xf32, #tpu.memory_space<vmem>> -> memref<1x64x128xf32, #tpu.memory_space<vmem>>
    %dma_start3A_423 = tpu.memref_squeeze %dma_start3A_422 : memref<1x64x128xf32, #tpu.memory_space<vmem>> -> memref<64x128xf32, #tpu.memory_space<vmem>>
    %dma_start3A_424 = arith.constant 0 : i32
    %dma_start3A_425 = tpu.memref_slice %arg4[%add3A_417, %dma_start3A_424] : memref<16384x128xf32, #tpu.memory_space<hbm>> -> memref<64x128xf32, #tpu.memory_space<hbm>>
    %dma_start3A_426 = tpu.memref_slice %arg9[%dma_start3A_419] : memref<8x!tpu.dma_semaphore, #tpu.memory_space<semaphore_mem>> -> memref<1x!tpu.dma_semaphore, #tpu.memory_space<semaphore_mem>>
    %dma_start3A_427 = tpu.memref_squeeze %dma_start3A_426 : memref<1x!tpu.dma_semaphore, #tpu.memory_space<semaphore_mem>> -> memref<!tpu.dma_semaphore, #tpu.memory_space<semaphore_mem>>
    %dma_start3A_428 = arith.constant 0 : i32
    %dma_start3A_429 = tpu.memref_slice %arg4[%add3A_417, %dma_start3A_428] : memref<16384x128xf32, #tpu.memory_space<hbm>> -> memref<64x128xf32, #tpu.memory_space<hbm>>
    %dma_start3A_430 = arith.constant 0 : i32
    %dma_start3A_431 = arith.constant 0 : i32
    %dma_start3A_432 = tpu.memref_slice %arg6[%dma_start3A_418, %dma_start3A_430, %dma_start3A_431] : memref<8x64x128xf32, #tpu.memory_space<vmem>> -> memref<1x64x128xf32, #tpu.memory_space<vmem>>
    %dma_start3A_433 = tpu.memref_squeeze %dma_start3A_432 : memref<1x64x128xf32, #tpu.memory_space<vmem>> -> memref<64x128xf32, #tpu.memory_space<vmem>>
    tpu.enqueue_dma source(%dma_start3A_433 : memref<64x128xf32, #tpu.memory_space<vmem>>) target(%dma_start3A_429 : memref<64x128xf32, #tpu.memory_space<hbm>>) target_semaphore(%dma_start3A_427 : memref<!tpu.dma_semaphore, #tpu.memory_space<semaphore_mem>>)
    %dma_wait3A_434 = arith.constant 0 : i32
    %dma_wait3A_435 = arith.constant 0 : i32
    %dma_wait3A_436 = arith.constant 0 : i32
    %dma_wait3A_437 = arith.constant 0 : i32
    %dma_wait3A_438 = tpu.memref_slice %arg6[%dma_wait3A_434, %dma_wait3A_436, %dma_wait3A_437] : memref<8x64x128xf32, #tpu.memory_space<vmem>> -> memref<1x64x128xf32, #tpu.memory_space<vmem>>
    %dma_wait3A_439 = tpu.memref_squeeze %dma_wait3A_438 : memref<1x64x128xf32, #tpu.memory_space<vmem>> -> memref<64x128xf32, #tpu.memory_space<vmem>>
    %dma_wait3A_440 = arith.constant 0 : i32
    %dma_wait3A_441 = tpu.memref_slice %arg4[%add3A_200, %dma_wait3A_440] : memref<16384x128xf32, #tpu.memory_space<hbm>> -> memref<64x128xf32, #tpu.memory_space<hbm>>
    %dma_wait3A_442 = tpu.memref_slice %arg9[%dma_wait3A_435] : memref<8x!tpu.dma_semaphore, #tpu.memory_space<semaphore_mem>> -> memref<1x!tpu.dma_semaphore, #tpu.memory_space<semaphore_mem>>
    %dma_wait3A_443 = tpu.memref_squeeze %dma_wait3A_442 : memref<1x!tpu.dma_semaphore, #tpu.memory_space<semaphore_mem>> -> memref<!tpu.dma_semaphore, #tpu.memory_space<semaphore_mem>>
    %dma_wait3A_444 = arith.constant 0 : i32
    %dma_wait3A_445 = tpu.memref_slice %arg4[%add3A_200, %dma_wait3A_444] : memref<16384x128xf32, #tpu.memory_space<hbm>> -> memref<64x128xf32, #tpu.memory_space<hbm>>
    %dma_wait3A_446 = arith.constant 0 : i32
    %dma_wait3A_447 = arith.constant 0 : i32
    %dma_wait3A_448 = tpu.memref_slice %arg6[%dma_wait3A_434, %dma_wait3A_446, %dma_wait3A_447] : memref<8x64x128xf32, #tpu.memory_space<vmem>> -> memref<1x64x128xf32, #tpu.memory_space<vmem>>
    %dma_wait3A_449 = tpu.memref_squeeze %dma_wait3A_448 : memref<1x64x128xf32, #tpu.memory_space<vmem>> -> memref<64x128xf32, #tpu.memory_space<vmem>>
    tpu.wait_dma2 semaphore(%dma_wait3A_443 : memref<!tpu.dma_semaphore, #tpu.memory_space<semaphore_mem>>) src(%dma_wait3A_449 : memref<64x128xf32, #tpu.memory_space<vmem>>) dst(%dma_wait3A_445 : memref<64x128xf32, #tpu.memory_space<hbm>>)
    %dma_wait3A_450 = arith.constant 1 : i32
    %dma_wait3A_451 = arith.constant 1 : i32
    %dma_wait3A_452 = arith.constant 0 : i32
    %dma_wait3A_453 = arith.constant 0 : i32
    %dma_wait3A_454 = tpu.memref_slice %arg6[%dma_wait3A_450, %dma_wait3A_452, %dma_wait3A_453] : memref<8x64x128xf32, #tpu.memory_space<vmem>> -> memref<1x64x128xf32, #tpu.memory_space<vmem>>
    %dma_wait3A_455 = tpu.memref_squeeze %dma_wait3A_454 : memref<1x64x128xf32, #tpu.memory_space<vmem>> -> memref<64x128xf32, #tpu.memory_space<vmem>>
    %dma_wait3A_456 = arith.constant 0 : i32
    %dma_wait3A_457 = tpu.memref_slice %arg4[%add3A_231, %dma_wait3A_456] : memref<16384x128xf32, #tpu.memory_space<hbm>> -> memref<64x128xf32, #tpu.memory_space<hbm>>
    %dma_wait3A_458 = tpu.memref_slice %arg9[%dma_wait3A_451] : memref<8x!tpu.dma_semaphore, #tpu.memory_space<semaphore_mem>> -> memref<1x!tpu.dma_semaphore, #tpu.memory_space<semaphore_mem>>
    %dma_wait3A_459 = tpu.memref_squeeze %dma_wait3A_458 : memref<1x!tpu.dma_semaphore, #tpu.memory_space<semaphore_mem>> -> memref<!tpu.dma_semaphore, #tpu.memory_space<semaphore_mem>>
    %dma_wait3A_460 = arith.constant 0 : i32
    %dma_wait3A_461 = tpu.memref_slice %arg4[%add3A_231, %dma_wait3A_460] : memref<16384x128xf32, #tpu.memory_space<hbm>> -> memref<64x128xf32, #tpu.memory_space<hbm>>
    %dma_wait3A_462 = arith.constant 0 : i32
    %dma_wait3A_463 = arith.constant 0 : i32
    %dma_wait3A_464 = tpu.memref_slice %arg6[%dma_wait3A_450, %dma_wait3A_462, %dma_wait3A_463] : memref<8x64x128xf32, #tpu.memory_space<vmem>> -> memref<1x64x128xf32, #tpu.memory_space<vmem>>
    %dma_wait3A_465 = tpu.memref_squeeze %dma_wait3A_464 : memref<1x64x128xf32, #tpu.memory_space<vmem>> -> memref<64x128xf32, #tpu.memory_space<vmem>>
    tpu.wait_dma2 semaphore(%dma_wait3A_459 : memref<!tpu.dma_semaphore, #tpu.memory_space<semaphore_mem>>) src(%dma_wait3A_465 : memref<64x128xf32, #tpu.memory_space<vmem>>) dst(%dma_wait3A_461 : memref<64x128xf32, #tpu.memory_space<hbm>>)
    %dma_wait3A_466 = arith.constant 2 : i32
    %dma_wait3A_467 = arith.constant 2 : i32
    %dma_wait3A_468 = arith.constant 0 : i32
    %dma_wait3A_469 = arith.constant 0 : i32
    %dma_wait3A_470 = tpu.memref_slice %arg6[%dma_wait3A_466, %dma_wait3A_468, %dma_wait3A_469] : memref<8x64x128xf32, #tpu.memory_space<vmem>> -> memref<1x64x128xf32, #tpu.memory_space<vmem>>
    %dma_wait3A_471 = tpu.memref_squeeze %dma_wait3A_470 : memref<1x64x128xf32, #tpu.memory_space<vmem>> -> memref<64x128xf32, #tpu.memory_space<vmem>>
    %dma_wait3A_472 = arith.constant 0 : i32
    %dma_wait3A_473 = tpu.memref_slice %arg4[%add3A_262, %dma_wait3A_472] : memref<16384x128xf32, #tpu.memory_space<hbm>> -> memref<64x128xf32, #tpu.memory_space<hbm>>
    %dma_wait3A_474 = tpu.memref_slice %arg9[%dma_wait3A_467] : memref<8x!tpu.dma_semaphore, #tpu.memory_space<semaphore_mem>> -> memref<1x!tpu.dma_semaphore, #tpu.memory_space<semaphore_mem>>
    %dma_wait3A_475 = tpu.memref_squeeze %dma_wait3A_474 : memref<1x!tpu.dma_semaphore, #tpu.memory_space<semaphore_mem>> -> memref<!tpu.dma_semaphore, #tpu.memory_space<semaphore_mem>>
    %dma_wait3A_476 = arith.constant 0 : i32
    %dma_wait3A_477 = tpu.memref_slice %arg4[%add3A_262, %dma_wait3A_476] : memref<16384x128xf32, #tpu.memory_space<hbm>> -> memref<64x128xf32, #tpu.memory_space<hbm>>
    %dma_wait3A_478 = arith.constant 0 : i32
    %dma_wait3A_479 = arith.constant 0 : i32
    %dma_wait3A_480 = tpu.memref_slice %arg6[%dma_wait3A_466, %dma_wait3A_478, %dma_wait3A_479] : memref<8x64x128xf32, #tpu.memory_space<vmem>> -> memref<1x64x128xf32, #tpu.memory_space<vmem>>
    %dma_wait3A_481 = tpu.memref_squeeze %dma_wait3A_480 : memref<1x64x128xf32, #tpu.memory_space<vmem>> -> memref<64x128xf32, #tpu.memory_space<vmem>>
    tpu.wait_dma2 semaphore(%dma_wait3A_475 : memref<!tpu.dma_semaphore, #tpu.memory_space<semaphore_mem>>) src(%dma_wait3A_481 : memref<64x128xf32, #tpu.memory_space<vmem>>) dst(%dma_wait3A_477 : memref<64x128xf32, #tpu.memory_space<hbm>>)
    %dma_wait3A_482 = arith.constant 3 : i32
    %dma_wait3A_483 = arith.constant 3 : i32
    %dma_wait3A_484 = arith.constant 0 : i32
    %dma_wait3A_485 = arith.constant 0 : i32
    %dma_wait3A_486 = tpu.memref_slice %arg6[%dma_wait3A_482, %dma_wait3A_484, %dma_wait3A_485] : memref<8x64x128xf32, #tpu.memory_space<vmem>> -> memref<1x64x128xf32, #tpu.memory_space<vmem>>
    %dma_wait3A_487 = tpu.memref_squeeze %dma_wait3A_486 : memref<1x64x128xf32, #tpu.memory_space<vmem>> -> memref<64x128xf32, #tpu.memory_space<vmem>>
    %dma_wait3A_488 = arith.constant 0 : i32
    %dma_wait3A_489 = tpu.memref_slice %arg4[%add3A_293, %dma_wait3A_488] : memref<16384x128xf32, #tpu.memory_space<hbm>> -> memref<64x128xf32, #tpu.memory_space<hbm>>
    %dma_wait3A_490 = tpu.memref_slice %arg9[%dma_wait3A_483] : memref<8x!tpu.dma_semaphore, #tpu.memory_space<semaphore_mem>> -> memref<1x!tpu.dma_semaphore, #tpu.memory_space<semaphore_mem>>
    %dma_wait3A_491 = tpu.memref_squeeze %dma_wait3A_490 : memref<1x!tpu.dma_semaphore, #tpu.memory_space<semaphore_mem>> -> memref<!tpu.dma_semaphore, #tpu.memory_space<semaphore_mem>>
    %dma_wait3A_492 = arith.constant 0 : i32
    %dma_wait3A_493 = tpu.memref_slice %arg4[%add3A_293, %dma_wait3A_492] : memref<16384x128xf32, #tpu.memory_space<hbm>> -> memref<64x128xf32, #tpu.memory_space<hbm>>
    %dma_wait3A_494 = arith.constant 0 : i32
    %dma_wait3A_495 = arith.constant 0 : i32
    %dma_wait3A_496 = tpu.memref_slice %arg6[%dma_wait3A_482, %dma_wait3A_494, %dma_wait3A_495] : memref<8x64x128xf32, #tpu.memory_space<vmem>> -> memref<1x64x128xf32, #tpu.memory_space<vmem>>
    %dma_wait3A_497 = tpu.memref_squeeze %dma_wait3A_496 : memref<1x64x128xf32, #tpu.memory_space<vmem>> -> memref<64x128xf32, #tpu.memory_space<vmem>>
    tpu.wait_dma2 semaphore(%dma_wait3A_491 : memref<!tpu.dma_semaphore, #tpu.memory_space<semaphore_mem>>) src(%dma_wait3A_497 : memref<64x128xf32, #tpu.memory_space<vmem>>) dst(%dma_wait3A_493 : memref<64x128xf32, #tpu.memory_space<hbm>>)
    %dma_wait3A_498 = arith.constant 4 : i32
    %dma_wait3A_499 = arith.constant 4 : i32
    %dma_wait3A_500 = arith.constant 0 : i32
    %dma_wait3A_501 = arith.constant 0 : i32
    %dma_wait3A_502 = tpu.memref_slice %arg6[%dma_wait3A_498, %dma_wait3A_500, %dma_wait3A_501] : memref<8x64x128xf32, #tpu.memory_space<vmem>> -> memref<1x64x128xf32, #tpu.memory_space<vmem>>
    %dma_wait3A_503 = tpu.memref_squeeze %dma_wait3A_502 : memref<1x64x128xf32, #tpu.memory_space<vmem>> -> memref<64x128xf32, #tpu.memory_space<vmem>>
    %dma_wait3A_504 = arith.constant 0 : i32
    %dma_wait3A_505 = tpu.memref_slice %arg4[%add3A_324, %dma_wait3A_504] : memref<16384x128xf32, #tpu.memory_space<hbm>> -> memref<64x128xf32, #tpu.memory_space<hbm>>
    %dma_wait3A_506 = tpu.memref_slice %arg9[%dma_wait3A_499] : memref<8x!tpu.dma_semaphore, #tpu.memory_space<semaphore_mem>> -> memref<1x!tpu.dma_semaphore, #tpu.memory_space<semaphore_mem>>
    %dma_wait3A_507 = tpu.memref_squeeze %dma_wait3A_506 : memref<1x!tpu.dma_semaphore, #tpu.memory_space<semaphore_mem>> -> memref<!tpu.dma_semaphore, #tpu.memory_space<semaphore_mem>>
    %dma_wait3A_508 = arith.constant 0 : i32
    %dma_wait3A_509 = tpu.memref_slice %arg4[%add3A_324, %dma_wait3A_508] : memref<16384x128xf32, #tpu.memory_space<hbm>> -> memref<64x128xf32, #tpu.memory_space<hbm>>
    %dma_wait3A_510 = arith.constant 0 : i32
    %dma_wait3A_511 = arith.constant 0 : i32
    %dma_wait3A_512 = tpu.memref_slice %arg6[%dma_wait3A_498, %dma_wait3A_510, %dma_wait3A_511] : memref<8x64x128xf32, #tpu.memory_space<vmem>> -> memref<1x64x128xf32, #tpu.memory_space<vmem>>
    %dma_wait3A_513 = tpu.memref_squeeze %dma_wait3A_512 : memref<1x64x128xf32, #tpu.memory_space<vmem>> -> memref<64x128xf32, #tpu.memory_space<vmem>>
    tpu.wait_dma2 semaphore(%dma_wait3A_507 : memref<!tpu.dma_semaphore, #tpu.memory_space<semaphore_mem>>) src(%dma_wait3A_513 : memref<64x128xf32, #tpu.memory_space<vmem>>) dst(%dma_wait3A_509 : memref<64x128xf32, #tpu.memory_space<hbm>>)
    %dma_wait3A_514 = arith.constant 5 : i32
    %dma_wait3A_515 = arith.constant 5 : i32
    %dma_wait3A_516 = arith.constant 0 : i32
    %dma_wait3A_517 = arith.constant 0 : i32
    %dma_wait3A_518 = tpu.memref_slice %arg6[%dma_wait3A_514, %dma_wait3A_516, %dma_wait3A_517] : memref<8x64x128xf32, #tpu.memory_space<vmem>> -> memref<1x64x128xf32, #tpu.memory_space<vmem>>
    %dma_wait3A_519 = tpu.memref_squeeze %dma_wait3A_518 : memref<1x64x128xf32, #tpu.memory_space<vmem>> -> memref<64x128xf32, #tpu.memory_space<vmem>>
    %dma_wait3A_520 = arith.constant 0 : i32
    %dma_wait3A_521 = tpu.memref_slice %arg4[%add3A_355, %dma_wait3A_520] : memref<16384x128xf32, #tpu.memory_space<hbm>> -> memref<64x128xf32, #tpu.memory_space<hbm>>
    %dma_wait3A_522 = tpu.memref_slice %arg9[%dma_wait3A_515] : memref<8x!tpu.dma_semaphore, #tpu.memory_space<semaphore_mem>> -> memref<1x!tpu.dma_semaphore, #tpu.memory_space<semaphore_mem>>
    %dma_wait3A_523 = tpu.memref_squeeze %dma_wait3A_522 : memref<1x!tpu.dma_semaphore, #tpu.memory_space<semaphore_mem>> -> memref<!tpu.dma_semaphore, #tpu.memory_space<semaphore_mem>>
    %dma_wait3A_524 = arith.constant 0 : i32
    %dma_wait3A_525 = tpu.memref_slice %arg4[%add3A_355, %dma_wait3A_524] : memref<16384x128xf32, #tpu.memory_space<hbm>> -> memref<64x128xf32, #tpu.memory_space<hbm>>
    %dma_wait3A_526 = arith.constant 0 : i32
    %dma_wait3A_527 = arith.constant 0 : i32
    %dma_wait3A_528 = tpu.memref_slice %arg6[%dma_wait3A_514, %dma_wait3A_526, %dma_wait3A_527] : memref<8x64x128xf32, #tpu.memory_space<vmem>> -> memref<1x64x128xf32, #tpu.memory_space<vmem>>
    %dma_wait3A_529 = tpu.memref_squeeze %dma_wait3A_528 : memref<1x64x128xf32, #tpu.memory_space<vmem>> -> memref<64x128xf32, #tpu.memory_space<vmem>>
    tpu.wait_dma2 semaphore(%dma_wait3A_523 : memref<!tpu.dma_semaphore, #tpu.memory_space<semaphore_mem>>) src(%dma_wait3A_529 : memref<64x128xf32, #tpu.memory_space<vmem>>) dst(%dma_wait3A_525 : memref<64x128xf32, #tpu.memory_space<hbm>>)
    %dma_wait3A_530 = arith.constant 6 : i32
    %dma_wait3A_531 = arith.constant 6 : i32
    %dma_wait3A_532 = arith.constant 0 : i32
    %dma_wait3A_533 = arith.constant 0 : i32
    %dma_wait3A_534 = tpu.memref_slice %arg6[%dma_wait3A_530, %dma_wait3A_532, %dma_wait3A_533] : memref<8x64x128xf32, #tpu.memory_space<vmem>> -> memref<1x64x128xf32, #tpu.memory_space<vmem>>
    %dma_wait3A_535 = tpu.memref_squeeze %dma_wait3A_534 : memref<1x64x128xf32, #tpu.memory_space<vmem>> -> memref<64x128xf32, #tpu.memory_space<vmem>>
    %dma_wait3A_536 = arith.constant 0 : i32
    %dma_wait3A_537 = tpu.memref_slice %arg4[%add3A_386, %dma_wait3A_536] : memref<16384x128xf32, #tpu.memory_space<hbm>> -> memref<64x128xf32, #tpu.memory_space<hbm>>
    %dma_wait3A_538 = tpu.memref_slice %arg9[%dma_wait3A_531] : memref<8x!tpu.dma_semaphore, #tpu.memory_space<semaphore_mem>> -> memref<1x!tpu.dma_semaphore, #tpu.memory_space<semaphore_mem>>
    %dma_wait3A_539 = tpu.memref_squeeze %dma_wait3A_538 : memref<1x!tpu.dma_semaphore, #tpu.memory_space<semaphore_mem>> -> memref<!tpu.dma_semaphore, #tpu.memory_space<semaphore_mem>>
    %dma_wait3A_540 = arith.constant 0 : i32
    %dma_wait3A_541 = tpu.memref_slice %arg4[%add3A_386, %dma_wait3A_540] : memref<16384x128xf32, #tpu.memory_space<hbm>> -> memref<64x128xf32, #tpu.memory_space<hbm>>
    %dma_wait3A_542 = arith.constant 0 : i32
    %dma_wait3A_543 = arith.constant 0 : i32
    %dma_wait3A_544 = tpu.memref_slice %arg6[%dma_wait3A_530, %dma_wait3A_542, %dma_wait3A_543] : memref<8x64x128xf32, #tpu.memory_space<vmem>> -> memref<1x64x128xf32, #tpu.memory_space<vmem>>
    %dma_wait3A_545 = tpu.memref_squeeze %dma_wait3A_544 : memref<1x64x128xf32, #tpu.memory_space<vmem>> -> memref<64x128xf32, #tpu.memory_space<vmem>>
    tpu.wait_dma2 semaphore(%dma_wait3A_539 : memref<!tpu.dma_semaphore, #tpu.memory_space<semaphore_mem>>) src(%dma_wait3A_545 : memref<64x128xf32, #tpu.memory_space<vmem>>) dst(%dma_wait3A_541 : memref<64x128xf32, #tpu.memory_space<hbm>>)
    %dma_wait3A_546 = arith.constant 7 : i32
    %dma_wait3A_547 = arith.constant 7 : i32
    %dma_wait3A_548 = arith.constant 0 : i32
    %dma_wait3A_549 = arith.constant 0 : i32
    %dma_wait3A_550 = tpu.memref_slice %arg6[%dma_wait3A_546, %dma_wait3A_548, %dma_wait3A_549] : memref<8x64x128xf32, #tpu.memory_space<vmem>> -> memref<1x64x128xf32, #tpu.memory_space<vmem>>
    %dma_wait3A_551 = tpu.memref_squeeze %dma_wait3A_550 : memref<1x64x128xf32, #tpu.memory_space<vmem>> -> memref<64x128xf32, #tpu.memory_space<vmem>>
    %dma_wait3A_552 = arith.constant 0 : i32
    %dma_wait3A_553 = tpu.memref_slice %arg4[%add3A_417, %dma_wait3A_552] : memref<16384x128xf32, #tpu.memory_space<hbm>> -> memref<64x128xf32, #tpu.memory_space<hbm>>
    %dma_wait3A_554 = tpu.memref_slice %arg9[%dma_wait3A_547] : memref<8x!tpu.dma_semaphore, #tpu.memory_space<semaphore_mem>> -> memref<1x!tpu.dma_semaphore, #tpu.memory_space<semaphore_mem>>
    %dma_wait3A_555 = tpu.memref_squeeze %dma_wait3A_554 : memref<1x!tpu.dma_semaphore, #tpu.memory_space<semaphore_mem>> -> memref<!tpu.dma_semaphore, #tpu.memory_space<semaphore_mem>>
    %dma_wait3A_556 = arith.constant 0 : i32
    %dma_wait3A_557 = tpu.memref_slice %arg4[%add3A_417, %dma_wait3A_556] : memref<16384x128xf32, #tpu.memory_space<hbm>> -> memref<64x128xf32, #tpu.memory_space<hbm>>
    %dma_wait3A_558 = arith.constant 0 : i32
    %dma_wait3A_559 = arith.constant 0 : i32
    %dma_wait3A_560 = tpu.memref_slice %arg6[%dma_wait3A_546, %dma_wait3A_558, %dma_wait3A_559] : memref<8x64x128xf32, #tpu.memory_space<vmem>> -> memref<1x64x128xf32, #tpu.memory_space<vmem>>
    %dma_wait3A_561 = tpu.memref_squeeze %dma_wait3A_560 : memref<1x64x128xf32, #tpu.memory_space<vmem>> -> memref<64x128xf32, #tpu.memory_space<vmem>>
    tpu.wait_dma2 semaphore(%dma_wait3A_555 : memref<!tpu.dma_semaphore, #tpu.memory_space<semaphore_mem>>) src(%dma_wait3A_561 : memref<64x128xf32, #tpu.memory_space<vmem>>) dst(%dma_wait3A_557 : memref<64x128xf32, #tpu.memory_space<hbm>>)
    return
  }
}

</mosaic_0001>

<sc_bundles>
// kernel: kernel.3.cloned.1.call-start
scs
__scs_entry_jumppad:
0x0: {  	(pc) =	sbr.rel $0x88, $3  }
0x1: {  	(tag) =	ssettag $0x0;
	lr =	simm.s32 $0x1  }
0x2: {  	[smem:$0x3F9F] =	sst lr;
	_ =	strace $0xD0000000  }
0x3: {  	_ = 	snop  }
0x4: {  	_ = 	snop  }
0x5: {  	_ = 	snop  }
0x6: {  	_ = 	snop  }
0x7: {  	_ = 	snop  }
__scs_overlays_trampoline_lowered:
0x8: {  	[smem:$0x3FAE] =	sst s0  }
0x9: {  	[smem:$0x3FAF] =	sst s1  }
0xa: {  	[smem:$0x3FB0] =	sst s2  }
0xb: {  	[smem:$0x3FB1] =	sst s3  }
0xc: {  	[smem:$0x3FB2] =	sst s4  }
0xd: {  	[smem:$0x3FB3] =	sst s5  }
0xe: {  	[smem:$0x3FB4] =	sst s6  }
0xf: {  	[smem:$0x3FB5] =	sst s7  }
0x10: {  	[smem:$0x3FB6] =	sst s8  }
0x11: {  	[smem:$0x3FB7] =	sst s9;
	s0 =	simm.s32 @!p0 $0x0  }
0x12: {  	s1 =	sld [smem:$0x3F9D];
	s0 =	simm.s32 @p0 $0x1  }
0x13: {  	[smem:$0x3FB8] =	sst s0;
	s0 =	simm.s32 @!p1 $0x0  }
0x14: {  	s2 =	sld [smem:$0x3F9C];
	s0 =	simm.s32 @p1 $0x1  }
0x15: {  	[smem:$0x3FB9] =	sst s0;
	s0 =	simm.s32 @!p2 $0x0  }
0x16: {  	s3 =	sld [smem:$0x3FDB];
	s0 =	simm.s32 @p2 $0x1  }
0x17: {  	s4 =	simm.s32 $0x1BF5;
	[smem:$0x3FBB] =	sst s0  }
0x18: {  	s0 =	sld [smem:$0x3F9E];
	_ =	swait.ge [sflag:s4], $0x0  }
0x19: {  	s7 =	sld [smem:$0x3F9F]  }
0x1a: {  	s8 =	sadd.s32 $0xFFFFE003, lr  }
0x1b: {  	s9 =	sadd.s32 $0xFFFFFEF7, lr;
	s5 =	simm.s32 $0xFFFFFFFF;
	p2 =	slt.u32 s8, $0xFFFFF086  }
0x1c: {  	p1 =	slt.u32 s9, $0xF7A;
	s5 =	simm.s32 @!p2 $0x0  }
0x1d: {  	s5 =	simm.s32 @p1 $0x1;
	p0 =	seq.s32 s7, s2  }
0x1e: {  	s7 =	smul.u32 @!p0 $0xF7A, s2;
	p2 =	seq.s32 @!p0 s5, $0x0  }
0x1f: {  	s9 =	smul.u32 $0xF7A, s1;
	s8 =	simm.s32 @!p0 $0x1BF5;
	p2 =	por !p2, p0  }
0x20: {  	[sflag:s8] =	ssyncset.s32 @!p0 $0xFFFFF086;
	s6 =	sadd.s32 @!p0 s3, s7;
	s7 =	simm.s32 @!p0 $0x108  }
0x21: {  	s3 =	sadd.s32 s3, s9;
	s6 =	sadd.s32 @!p0 $0x88, s6;
	s7 =	simm.s32 @p2 $0x1082  }
0x22: {  	[simem:s7], [sflag:s8] =	dma.local @!p0 [hbm:s6], $0xF7A  }
0x23: {  	s9 =	sor.u32 $0xD0000000, s2;
	s6 =	simm.s32 $0x108;
	_ =	swait.ge @!p0 [sflag:s8], $0x0  }
0x24: {  	s3 =	sadd.s32 $0x88, s3;
	s6 =	simm.s32 @!p1 $0x1082;
	[sflag:s4] =	ssyncset.s32 $0xFFFFF086  }
0x25: {  	[simem:s6], [sflag:s4] =	dma.local [hbm:s3], $0xF7A  }
0x26: {  	[smem:$0x3F9F] =	sst s1;
	(tag) =	ssettag s2;
	_ =	strace s9  }
0x27: {  	s1 =	sld [smem:$0x3FAF]  }
0x28: {  	s2 =	sld [smem:$0x3FB0]  }
0x29: {  	s4 =	sld [smem:$0x3FB2]  }
0x2a: {  	p0 =	seq.s32 s5, $0x0;
	s5 =	sld [smem:$0x3FB3]  }
0x2b: {  	s6 =	sld [smem:$0x3FB4]  }
0x2c: {  	s7 =	sld [smem:$0x3FB5]  }
0x2d: {  	s3 =	simm.s32 $0x108;
	s8 =	sld [smem:$0x3FB6]  }
0x2e: {  	s3 =	simm.s32 @!p0 $0x1082;
	s9 =	sld [smem:$0x3FB7]  }
0x2f: {  	lr =	sadd.s32 s0, s3;
	s0 =	sld [smem:$0x3FAE]  }
0x30: {  	s3 =	sld [smem:$0x3FB1]  }
0x31: {  	[smem:$0x3FBA] =	sst s10  }
0x32: {  	s10 =	sld [smem:$0x3FB8];
	_ =	sdelay $0x3  }
0x33: {  	p0 =	seq.s32 s10, $0x1;
	s10 =	sld [smem:$0x3FBA];
	_ =	sdelay $0x3  }
0x34: {  	[smem:$0x3FBA] =	sst s10  }
0x35: {  	s10 =	sld [smem:$0x3FB9];
	_ =	sdelay $0x3  }
0x36: {  	p1 =	seq.s32 s10, $0x1;
	s10 =	sld [smem:$0x3FBA];
	_ =	sdelay $0x3  }
0x37: {  	[smem:$0x3FBA] =	sst s10  }
0x38: {  	s10 =	sld [smem:$0x3FBB]  }
0x39: {  	_ = 	snop;
	(pc) =	sbr.ind lr, $3  }
0x3a: {  	_ = 	snop  }
0x3b: {  	_ = 	snop  }
0x3c: {  	p2 =	seq.s32 s10, $0x1;
	s10 =	sld [smem:$0x3FBA]  }
0x3d: {  	_ =	shalt  }
0x3e: {  	_ =	shalt  }
0x3f: {  	_ =	shalt  }
0x40: {  	_ =	shalt  }
0x41: {  	_ =	shalt  }
0x42: {  	_ =	shalt  }
0x43: {  	_ =	shalt  }
0x44: {  	_ =	shalt  }
0x45: {  	_ =	shalt  }
0x46: {  	_ =	shalt  }
0x47: {  	_ =	shalt  }
0x48: {  	_ =	shalt  }
0x49: {  	_ =	shalt  }
0x4a: {  	_ =	shalt  }
0x4b: {  	_ =	shalt  }
0x4c: {  	_ =	shalt  }
0x4d: {  	_ =	shalt  }
0x4e: {  	_ =	shalt  }
0x4f: {  	_ =	shalt  }
0x50: {  	_ =	shalt  }
0x51: {  	_ =	shalt  }
0x52: {  	_ =	shalt  }
0x53: {  	_ =	shalt  }
0x54: {  	_ =	shalt  }
0x55: {  	_ =	shalt  }
0x56: {  	_ =	shalt  }
0x57: {  	_ =	shalt  }
0x58: {  	_ =	shalt  }
0x59: {  	_ =	shalt  }
0x5a: {  	_ =	shalt  }
0x5b: {  	_ =	shalt  }
0x5c: {  	_ =	shalt  }
0x5d: {  	_ =	shalt  }
0x5e: {  	_ =	shalt  }
0x5f: {  	_ =	shalt  }
0x60: {  	_ =	shalt  }
0x61: {  	_ =	shalt  }
0x62: {  	_ =	shalt  }
0x63: {  	_ =	shalt  }
0x64: {  	_ =	shalt  }
0x65: {  	_ =	shalt  }
0x66: {  	_ =	shalt  }
0x67: {  	_ =	shalt  }
0x68: {  	_ =	shalt  }
0x69: {  	_ =	shalt  }
0x6a: {  	_ =	shalt  }
0x6b: {  	_ =	shalt  }
0x6c: {  	_ =	shalt  }
0x6d: {  	_ =	shalt  }
0x6e: {  	_ =	shalt  }
0x6f: {  	_ =	shalt  }
0x70: {  	_ =	shalt  }
0x71: {  	_ =	shalt  }
0x72: {  	_ =	shalt  }
0x73: {  	_ =	shalt  }
0x74: {  	_ =	shalt  }
0x75: {  	_ =	shalt  }
0x76: {  	_ =	shalt  }
0x77: {  	_ =	shalt  }
0x78: {  	_ =	shalt  }
0x79: {  	_ =	shalt  }
0x7a: {  	_ =	shalt  }
0x7b: {  	_ =	shalt  }
0x7c: {  	_ =	shalt  }
0x7d: {  	_ =	shalt  }
0x7e: {  	_ =	shalt  }
0x7f: {  	_ =	shalt  }
0x80: {  	_ =	shalt  }
0x81: {  	_ =	shalt  }
0x82: {  	_ =	shalt  }
0x83: {  	_ =	shalt  }
0x84: {  	_ =	shalt  }
0x85: {  	_ =	shalt  }
0x86: {  	_ =	shalt  }
0x87: {  	_ =	shalt  }
.Lfunc_end0:
.L_simem_size_0:
called_computation_lowered:
.L_overlay_start_0:
0x88: {  	s2 =	sld [smem:$0x3FD9]  }
0x89: {  	s3 =	sld [smem:$0x3FFE];
	_ =	sdelay $0x1  }
0x8a: {  	s1 =	srdreg.scid  }
0x8b: {  	s0 =	sand.u32 $0x1, s1  }
0x8c: {  	s18 =	sshll.u32 s0, $0xA;
	s2 =	sadd.s32 s3, s2  }
0x8d: {  	s2 =	sadd.s32 s2, s18  }
0x8e: {  	[smem:$0x3FC6] =	sst s2  }
0x8f: {  	_ = 	snop  }
0x90: {  	s2 =	sld [smem:$0x3FC9]  }
0x91: {  	s19 =	sld [smem:$0x3FC8]  }
0x92: {  	s4 =	sld [smem:$0x3FD0];
	(tm) =	ssettm $0x1  }
0x93: {  	s5 =	sld [smem:$0x3FFB];
	_ =	sdelay $0x3  }
0x94: {  	_ =	strace s5  }
0x95: {  	s5 =	sld [smem:$0x3FFC];
	_ =	sdelay $0x3  }
0x96: {  	_ =	strace s5  }
0x97: {  	s5 =	sld [smem:$0x3FFD];
	_ =	sdelay $0x3  }
0x98: {  	_ =	strace s5  }
0x99: {  	_ =	strace $0x8FFFFFFF  }
0x9a: {  	s20 =	sld [smem:$0x3FDB];
	_ =	sdelay $0x1  }
0x9b: {  	s6 =	simm.s32 $_scs_section_size  }
0x9c: {  	s7 =	simm.s32 $_size__tile_overlayer_lowered;
	s8 =	simm.s32 $_tile_overlayer_lowered  }
0x9d: {  	s23 =	simm.s32 $0x1BFF;
	s22 =	sshll.u32 s8, $0x1;
	s5 =	sadd.s32 s6, s20  }
0x9e: {  	s9 =	simm.s32 $0x0;
	s21 =	sshll.u32 s7, $0x1;
	s7 =	sadd.s32 s22, s5  }
0x9f: {  	[timem:s9], [sflag:s23] =	dma.local [hbm:s7], s21  }
0xa0: {  	_ =	swait.ge [sflag:s23], s21  }
0xa1: {  	s6 =	ssub.s32 $0x0, s21;
	[sflag:s23] =	ssyncset.done $0x0  }
0xa2: {  	[sflag:s23] =	ssyncadd.s32 s6;
	_ =	sdelay $0x1  }
0xa3: {  	s24 =	simm.s32 $0x1B8B  }
0xa4: {  	_ =	swait.ge [sflag:s24], $0x1  }
0xa5: {  	[sflag:s24] =	ssyncset.done $0x0  }
0xa6: {  	s25 =	simm.s32 $0x1B8E;
	[sflag:s24] =	ssyncadd.s32 $0xFFFFFFFF  }
0xa7: {  	s26 =	simm.s32 $execute0_lowered;
	[smem:$0x3FD2] =	sst s25  }
0xa8: {  	s6 =	sshll.u32 s26, $0x1;
	_ =	strace $0x80000046;
	[dreg:$0x1] =	wrdreg $0xFFFFFFFF  }
0xa9: {  	s28 =	simm.s32 $_size_execute0_lowered;
	s5 =	sadd.s32 s5, s6;
	[dreg:$0x0] =	wrdreg $0x0  }
0xaa: {  	s6 =	sshll.u32 s28, $0x1;
	[dreg:$0x2] =	wrdreg s5  }
0xab: {  	[dreg:$0x3] =	wrdreg s6  }
0xac: {  	[dreg:$0x4] =	wrdreg $0xC0  }
0xad: {  	_ =	task [dreg:s9], $0x5FFFF  }
0xae: {  	[dreg:$0x1] =	wrdreg $0xFFFFFFFF  }
0xaf: {  	[dreg:$0x0] =	wrdreg $0x60  }
0xb0: {  	[dreg:$0x2] =	wrdreg s19  }
0xb1: {  	[dreg:$0x3] =	wrdreg s2  }
0xb2: {  	[dreg:$0x4] =	wrdreg s4  }
0xb3: {  	[dreg:$0x5] =	wrdreg $0x102000  }
0xb4: {  	[dreg:$0x6] =	wrdreg $0x9  }
0xb5: {  	_ =	task.clear_ibuf [dreg:s9], $0x7FFFF;
	_ =	strace $0x90000046  }
0xb6: {  	s29 =	simm.s32 $0x9;
	_ =	strace $0x80000048  }
0xb7: {  	_ =	swait.ge [sflag:s29], $0x1  }
0xb8: {  	[sflag:s29] =	ssyncadd.s32 $0xFFFFFFFF  }
0xb9: {  	_ =	strace $0x90000048  }
0xba: {  	_ =	sfence  }
0xbb: {  	s30 =	sld [smem:$0x0];
	_ =	sdelay $0x2  }
0xbc: {  	s31 =	sshll.u32 s1, $0xD;
	s1 =	sshrl.u32 s1, $0x2  }
0xbd: {  	s3 =	sand.u32 $0x4000, s31;
	s1 =	sadd.s32 s1, s30  }
0xbe: {  	s0 =	sor.u32 s3, s0;
	s1 =	sshll.u32 s1, $0x11  }
0xbf: {  	s0 =	sor.u32 s1, s0  }
0xc0: {  	s0 =	sadd.s32 $0x8F2B, s0  }
0xc1: {  	[sflag:s0] =	ssyncadd.remote.s32 $0x1  }
0xc2: {  	_ =	sfence.sel $0xFFFF  }
0xc3: {  	[dreg:$0x0] =	wrdreg $0xFFFFFFFF;
	(pc) =	sbr.abs _section_cstart, $3  }
0xc4: {  	[dreg:$0x1] =	wrdreg $0xFFFFFFFF  }
0xc5: {  	_ =	task.clear_ibuf [dreg:s9], $0x2FFFF;
	_ =	strace $0x9FFFFFFF  }
0xc6: {  	(tm) =	ssettm $0x7FFFFFFF  }
0xc7: {  	_ =	shalt  }
tec
execute0_lowered:
.L_overlay_start_1:
0x0: {  	(tag) =	ssettag $0x1  }
0x1: {  	s21 =	stileid.u32  }
0x2: {  	p0 =	sgt.s32 s21, $0x3  }
0x3: {  	p2 =	sgt.s32 @p0 s21, $0x5  }
0x4: {  	p1 =	por !p2, !p0  }
0x5: {  	s22 =	rddreg [dreg:$0x0];
	p3 =	seq.s32 @!p1 s21, $0x6  }
0x6: {  	s9 =	rddreg [dreg:$0x1];
	p1 =	por @p0 !p3, !p2  }
0x7: {  	p5 =	sgt.s32 @!p0 s21, $0x1;
	p4 =	por p2, !p0;
	s0 =	simm.s32 @!p1 $0x0  }
0x8: {  	p6 =	por !p5, p0;
	s0 =	simm.s32 @p1 $0x1;
	p1 =	por @p0 p3, !p2  }
0x9: {  	p4 =	seq.s32 @!p4 s21, $0x4;
	[smem:$0x7DE] =	sst s0;
	s0 =	simm.s32 @!p1 $0x0  }
0xa: {  	p6 =	seq.s32 @!p6 s21, $0x2;
	s0 =	simm.s32 @p1 $0x1;
	p1 =	por @p0 !p4, p2  }
0xb: {  	p3 =	por @!p0 !p6, !p5;
	[smem:$0x7DF] =	sst s0;
	s0 =	simm.s32 @!p1 $0x0  }
0xc: {  	s5 =	sld [smem:$0x7DE];
	s0 =	simm.s32 @p1 $0x1;
	p1 =	por p5, p0  }
0xd: {  	p6 =	por @!p0 p6, !p5;
	s6 =	sld [smem:$0x7DF];
	p1 =	seq.s32 @!p1 s21, $0x0  }
0xe: {  	p4 =	por @p0 p4, p2;
	[smem:$0x7E0] =	sst s0;
	p2 =	por @!p0 !p1, p5  }
0xf: {  	p1 =	por @!p0 p1, p5;
	p5 =	seq.s32 s5, $0x1;
	s0 =	simm.s32 @!p2 $0x0  }
0x10: {  	s7 =	sld [smem:$0x7E0];
	s0 =	simm.s32 @p2 $0x1;
	p2 =	por p5, !p0  }
0x11: {  	p5 =	seq.s32 s6, $0x1;
	[smem:$0x7E1] =	sst s0;
	s0 =	simm.s32 @!p2 $0x0  }
0x12: {  	s10 =	rddreg [dreg:$0x2];
	s0 =	simm.s32 @p2 $0x1;
	p2 =	por p5, !p0  }
0x13: {  	p5 =	seq.s32 s7, $0x1;
	[smem:$0x7E8] =	sst s0;
	s0 =	simm.s32 @!p2 $0x0  }
0x14: {  	s2 =	rddreg [dreg:$0x3];
	p5 =	por p5, !p0;
	s0 =	simm.s32 @p2 $0x1  }
0x15: {  	[smem:$0x7E9] =	sst s0;
	s0 =	simm.s32 @!p5 $0x0  }
0x16: {  	p4 =	por p4, !p0;
	s8 =	sld [smem:$0x7E1];
	s0 =	simm.s32 @p5 $0x1  }
0x17: {  	[smem:$0x7EA] =	sst s0;
	s0 =	simm.s32 @!p4 $0x0  }
0x18: {  	p3 =	por p3, p0;
	p2 =	sgt.s32 s21, $0xB;
	s0 =	simm.s32 @p4 $0x1  }
0x19: {  	p4 =	sgt.s32 @p2 s21, $0xD;
	[smem:$0x7EB] =	sst s0;
	s0 =	simm.s32 @!p3 $0x0  }
0x1a: {  	s0 =	simm.s32 @p3 $0x1;
	p3 =	por p6, p0;
	p6 =	seq.s32 s8, $0x1  }
0x1b: {  	[smem:$0x7EC] =	sst s0;
	s0 =	simm.s32 @!p3 $0x0;
	p6 =	por p6, p0  }
0x1c: {  	p0 =	por p1, p0;
	s0 =	simm.s32 @p3 $0x1;
	p3 =	por !p4, !p2  }
0x1d: {  	[smem:$0x7ED] =	sst s0;
	p3 =	seq.s32 @!p3 s21, $0xE;
	s0 =	simm.s32 @!p0 $0x0  }
0x1e: {  	s3 =	srdreg.scid;
	s0 =	simm.s32 @p0 $0x1;
	p0 =	por @p2 !p3, !p4  }
0x1f: {  	s29 =	simm.s32 $0x8200;
	[smem:$0x7EE] =	sst s0;
	s0 =	simm.s32 @!p0 $0x0  }
0x20: {  	p5 =	por p4, !p2;
	s0 =	simm.s32 @p0 $0x1;
	p0 =	por @p2 p3, !p4  }
0x21: {  	p5 =	seq.s32 @!p5 s21, $0xC;
	[smem:$0x7E2] =	sst s0;
	s0 =	simm.s32 @!p0 $0x0  }
0x22: {  	s31 =	simm.s32 $0xA200;
	s0 =	simm.s32 @p0 $0x1;
	p0 =	por @p2 !p5, p4  }
0x23: {  	s28 =	simm.s32 $0x6;
	[smem:$0x7E3] =	sst s0;
	s0 =	simm.s32 @!p0 $0x0  }
0x24: {  	s30 =	simm.s32 $0x7;
	s0 =	simm.s32 @p0 $0x1;
	p0 =	sgt.s32 @!p2 s21, $0x9  }
0x25: {  	s3 =	sand.u32 $0x1, s3;
	p4 =	por @p2 p5, p4;
	p5 =	por !p0, p2  }
0x26: {  	s24 =	sadd.s32 $0x3C00, s22;
	s25 =	sadd.s32 $0x3800, s22;
	p5 =	seq.s32 @!p5 s21, $0xA  }
0x27: {  	s4 =	sld [smem:$0x7E2];
	p1 =	por p0, p2;
	p3 =	por @!p2 !p5, !p0  }
0x28: {  	s16 =	sld [smem:$0x7E3];
	p1 =	seq.s32 @!p1 s21, $0x8;
	s1 =	simm.s32 @!p3 $0x0  }
0x29: {  	s1 =	simm.s32 @p3 $0x1;
	p3 =	por @!p2 p5, !p0;
	p5 =	por @!p2 !p1, p0  }
0x2a: {  	s5 =	sshll.u32 s21, $0xA;
	[smem:$0x7E5] =	sst s1;
	s1 =	simm.s32 @!p5 $0x0  }
0x2b: {  	[smem:$0x7E4] =	sst s0;
	p0 =	por @!p2 p1, p0;
	s1 =	simm.s32 @p5 $0x1  }
0x2c: {  	p5 =	seq.s32 s4, $0x1;
	[smem:$0x7E6] =	sst s1;
	s1 =	simm.s32 @!p0 $0x0  }
0x2d: {  	s17 =	sld [smem:$0x7E4];
	s1 =	simm.s32 @p0 $0x1;
	p0 =	por p5, !p2  }
0x2e: {  	p1 =	seq.s32 s16, $0x1;
	s18 =	sld [smem:$0x7E5];
	s4 =	simm.s32 @!p0 $0x0  }
0x2f: {  	s19 =	sld [smem:$0x7E6];
	s4 =	simm.s32 @p0 $0x1;
	p0 =	por p1, !p2  }
0x30: {  	p5 =	seq.s32 s17, $0x1;
	[smem:$0x7EF] =	sst s4;
	s4 =	simm.s32 @!p0 $0x0  }
0x31: {  	[smem:$0x7E7] =	sst s1;
	s4 =	simm.s32 @p0 $0x1;
	p0 =	por p5, !p2  }
0x32: {  	s6 =	sshll.u32 s3, $0x9;
	[smem:$0x7F0] =	sst s4;
	s4 =	simm.s32 @!p0 $0x0  }
0x33: {  	s5 =	sor.u32 s6, s5;
	s20 =	sld [smem:$0x7E7];
	s4 =	simm.s32 @p0 $0x1  }
0x34: {  	s7 =	sshrl.u32 s5, $0x3;
	[smem:$0x7F1] =	sst s4;
	s4 =	simm.s32 $0x0  }
0x35: {  	s11 =	sadd.s32 $0x16000, s2;
	s0 =	sadd.s32 s9, s7;
	[smem:$0x7FF] =	sst s4  }
0x36: {  	s12 =	sadd.s32 $0x14000, s2;
	_ =	strace $0x80000047;
	[dreg:$0x5] =	wrdreg s0  }
0x37: {  	s13 =	sadd.s32 $0x12000, s2;
	s3 =	ssub.s32 $0x2, s3;
	[dreg:$0x6] =	wrdreg s24  }
0x38: {  	s23 =	sshrl.u32 s3, $0x1;
	s8 =	sadd.s32 $0x3400, s22;
	[dreg:$0x7] =	wrdreg s25  }
0x39: {  	s14 =	sadd.s32 $0x10000, s2;
	s3 =	ssub.s32 s3, s23;
	[dreg:$0x8] =	wrdreg s8  }
0x3a: {  	s5 =	sshll.u32 s5, $0x4;
	p4 =	por p4, !p2;
	s26 =	sld [smem:$0x7E8]  }
0x3b: {  	s9 =	sadd.s32 s10, s5;
	p1 =	seq.s32 s18, $0x1;
	s5 =	sld [smem:$0x7E9]  }
0x3c: {  	s16 =	sadd.s32 $0xC000, s2;
	p5 =	por p1, p2;
	s23 =	sld [smem:$0x7EC]  }
0x3d: {  	p0 =	por p3, p2;
	p3 =	seq.s32 s19, $0x1;
	s24 =	sld [smem:$0x7ED]  }
0x3e: {  	p1 =	por p3, p2;
	p3 =	seq.s32 s20, $0x1;
	s25 =	sld [smem:$0x7EE]  }
0x3f: {  	p2 =	por p3, p2;
	p3 =	seq.s32 s26, $0x1;
	s26 =	sld [smem:$0x7EF]  }
0x40: {  	s10 =	smax.u32 s3, $0x1;
	s3 =	sshrl.u32 @!p3 s16, $0x3;
	s16 =	sld [smem:$0x7EA]  }
0x41: {  	s15 =	sadd.s32 $0xE000, s2;
	p3 =	seq.s32 s5, $0x1;
	s5 =	sld [smem:$0x7F1]  }
0x42: {  	s6 =	sadd.s32 $0x1C000, s2;
	[dreg:$0x9] =	wrdreg s3;
	s3 =	sshrl.u32 @!p3 s15, $0x3  }
0x43: {  	s18 =	sadd.s32 $0x8000, s2;
	[dreg:$0xa] =	wrdreg s3;
	p3 =	seq.s32 s16, $0x1  }
0x44: {  	s15 =	sadd.s32 $0x1400, s22;
	s3 =	sshrl.u32 @!p3 s18, $0x3;
	s18 =	sld [smem:$0x7EB]  }
0x45: {  	s7 =	sadd.s32 $0x1A000, s2;
	[dreg:$0x1f] =	wrdreg s15;
	s16 =	sadd.s32 $0x1000, s22  }
0x46: {  	s17 =	sadd.s32 $0xA000, s2;
	s1 =	sadd.s32 $0x2000, s2;
	[smem:$0x7F3] =	sst s16  }
0x47: {  	[dreg:$0xb] =	wrdreg s3;
	p3 =	seq.s32 s18, $0x1;
	s18 =	sadd.s32 $0x800, s22  }
0x48: {  	s19 =	sadd.s32 $0x6000, s2;
	s3 =	sshrl.u32 @!p3 s17, $0x3;
	[smem:$0x7F5] =	sst s18  }
0x49: {  	s20 =	sadd.s32 $0x4000, s2;
	s17 =	sadd.s32 $0xC00, s22;
	[dreg:$0xc] =	wrdreg s3  }
0x4a: {  	p3 =	seq.s32 s23, $0x1;
	s23 =	sadd.s32 $0x1000, s9;
	[smem:$0x7F4] =	sst s17  }
0x4b: {  	s0 =	sadd.s32 $0x1E000, s2;
	s3 =	sshrl.u32 @!p3 s20, $0x3;
	[smem:$0x7FA] =	sst s23  }
0x4c: {  	s8 =	sadd.s32 $0x18000, s2;
	s20 =	sadd.s32 $0x400, s9;
	[dreg:$0xd] =	wrdreg s3  }
0x4d: {  	p3 =	seq.s32 s24, $0x1;
	s24 =	sadd.s32 $0x1400, s9;
	[smem:$0x7F7] =	sst s20  }
0x4e: {  	s15 =	simm.s32 $0xE;
	s3 =	sshrl.u32 @!p3 s19, $0x3;
	[smem:$0x7FB] =	sst s24  }
0x4f: {  	s16 =	simm.s32 $0xF;
	s23 =	simm.s32 $0x4;
	[dreg:$0xe] =	wrdreg s3  }
0x50: {  	s17 =	simm.s32 $0x10;
	s19 =	sadd.s32 $0x400, s22;
	s3 =	sld [smem:$0x7F0]  }
0x51: {  	p3 =	seq.s32 s25, $0x1;
	s25 =	sadd.s32 $0x1800, s9;
	[smem:$0x7F6] =	sst s19  }
0x52: {  	s20 =	simm.s32 $0x40;
	s1 =	sshrl.u32 @!p3 s1, $0x3;
	[smem:$0x7FC] =	sst s25  }
0x53: {  	p3 =	seq.s32 s26, $0x1;
	s26 =	sadd.s32 $0x1C00, s9;
	[dreg:$0xf] =	wrdreg s1  }
0x54: {  	s24 =	simm.s32 $0x4200;
	s1 =	sshrl.u32 @!p3 s6, $0x3;
	[smem:$0x7FD] =	sst s26  }
0x55: {  	s6 =	sadd.s32 $0x3000, s22;
	[dreg:$0x10] =	wrdreg s1;
	p3 =	seq.s32 s3, $0x1  }
0x56: {  	[dreg:$0x18] =	wrdreg s6;
	s0 =	sshrl.u32 @!p3 s0, $0x3;
	p3 =	seq.s32 s5, $0x1  }
0x57: {  	s19 =	simm.s32 $0x11;
	[dreg:$0x11] =	wrdreg s0;
	s0 =	sshrl.u32 @!p3 s8, $0x3  }
0x58: {  	s25 =	simm.s32 $0x5;
	s8 =	sadd.s32 $0x2800, s22;
	[dreg:$0x12] =	wrdreg s0  }
0x59: {  	p3 =	sgt.s32 s21, $0x7;
	s21 =	sadd.s32 $0x800, s9;
	[dreg:$0x1a] =	wrdreg s8  }
0x5a: {  	s26 =	simm.s32 $0x6200;
	s0 =	sshrl.u32 @!p4 s7, $0x3;
	[smem:$0x7F8] =	sst s21  }
0x5b: {  	s6 =	simm.s32 $0xE200;
	s7 =	sadd.s32 $0x2C00, s22;
	[dreg:$0x13] =	wrdreg s0  }
0x5c: {  	s1 =	simm.s32 $0x9;
	s0 =	sshrl.u32 @!p5 s12, $0x3;
	[dreg:$0x19] =	wrdreg s7  }
0x5d: {  	s3 =	simm.s32 $0x8;
	s12 =	sadd.s32 $0x2000, s22;
	[dreg:$0x14] =	wrdreg s0  }
0x5e: {  	s5 =	simm.s32 $0xA;
	s0 =	sshrl.u32 @!p0 s11, $0x3;
	[dreg:$0x1c] =	wrdreg s12  }
0x5f: {  	s8 =	simm.s32 $0x2;
	s11 =	sadd.s32 $0x2400, s22;
	[dreg:$0x15] =	wrdreg s0  }
0x60: {  	s7 =	simm.s32 $0x1;
	s0 =	sshrl.u32 @!p1 s14, $0x3;
	[dreg:$0x1b] =	wrdreg s11  }
0x61: {  	s12 =	simm.s32 $0xB;
	s14 =	sadd.s32 $0x1800, s22;
	[dreg:$0x16] =	wrdreg s0  }
.Ltmp0:
0x62: {  	s0 =	sshrl.u32 @!p2 s13, $0x3;
	[dreg:$0x1e] =	wrdreg s14;
	(pc) =	sbr.rel .LBB2_1-.Ltmp0, $4  }
0x63: {  	s11 =	simm.s32 $0x3;
	s13 =	sadd.s32 $0x1C00, s22;
	[dreg:$0x17] =	wrdreg s0  }
0x64: {  	s22 =	sadd.s32 $0xC00, s9;
	s0 =	simm.s32 @!p3 $0x0;
	[dreg:$0x1d] =	wrdreg s13  }
0x65: {  	s14 =	simm.s32 $0xD;
	[smem:$0x7F9] =	sst s22;
	s0 =	simm.s32 @p3 $0x1  }
0x66: {  	s13 =	simm.s32 $0xC;
	[smem:$0x7F2] =	sst s0;
	s0 =	simm.s32 $0xC200  }
.LBB2_3:
0x67: {  	s18 =	sld [smem:$0x7EF];
	_ =	sdelay $0x2  }
0x68: {  	s21 =	rddreg [dreg:$0x7];
	p3 =	seq.s32 s18, $0x1  }
0x69: {  	s22 =	rddreg [dreg:$0x10];
	s18 =	simm.s32 @!p3 $0x1F92  }
0x6a: {  	[spmem:s22], [sflag:s18] =	dma.local @!p3 [hbm:s21], $0x400  }
0x6b: {  	s18 =	simm.s32 @!p3 $0x12  }
0x6c: {  	_ =	swait.ge @!p3 [sflag:s18], $0x400  }
0x6d: {  	s21 =	sld [smem:$0x7F0];
	_ =	sdelay $0x1  }
0x6e: {  	[sflag:s18] =	ssyncset.done @!p3 $0x0  }
0x6f: {  	s22 =	rddreg [dreg:$0x11];
	[sflag:s18] =	ssyncadd.s32 @!p3 $0xFFFFFC00;
	p3 =	seq.s32 s21, $0x1  }
0x70: {  	s21 =	rddreg [dreg:$0x6];
	s18 =	simm.s32 @!p3 $0x1FD2  }
0x71: {  	[spmem:s22], [sflag:s18] =	dma.local @!p3 [hbm:s21], $0x280  }
0x72: {  	s18 =	simm.s32 @!p3 $0x12  }
0x73: {  	_ =	swait.ge @!p3 [sflag:s18], $0x280  }
0x74: {  	s22 =	sld [smem:$0x7F1];
	_ =	sdelay $0x1  }
0x75: {  	[sflag:s18] =	ssyncset.done @!p3 $0x0  }
0x76: {  	s21 =	rddreg [dreg:$0x12];
	[sflag:s18] =	ssyncadd.s32 @!p3 $0xFFFFFD80;
	p3 =	seq.s32 s22, $0x1  }
0x77: {  	s22 =	rddreg [dreg:$0x18];
	s18 =	simm.s32 @!p3 $0x1F12  }
0x78: {  	[spmem:s21], [sflag:s18] =	dma.local @!p3 [hbm:s22], $0x400  }
0x79: {  	s18 =	simm.s32 @!p3 $0x12  }
0x7a: {  	_ =	swait.ge @!p3 [sflag:s18], $0x400  }
0x7b: {  	[sflag:s18] =	ssyncset.done @!p3 $0x0;
	s21 =	rddreg [dreg:$0x8]  }
0x7c: {  	s22 =	rddreg [dreg:$0x13];
	[sflag:s18] =	ssyncadd.s32 @!p3 $0xFFFFFC00;
	s18 =	simm.s32 @!p4 $0x1F52  }
0x7d: {  	[spmem:s22], [sflag:s18] =	dma.local @!p4 [hbm:s21], $0x400  }
0x7e: {  	s18 =	simm.s32 @!p4 $0x12  }
0x7f: {  	_ =	swait.ge @!p4 [sflag:s18], $0x400  }
0x80: {  	[sflag:s18] =	ssyncset.done @!p4 $0x0;
	s21 =	rddreg [dreg:$0x14]  }
0x81: {  	s22 =	rddreg [dreg:$0x1a];
	[sflag:s18] =	ssyncadd.s32 @!p4 $0xFFFFFC00;
	s18 =	simm.s32 @!p5 $0x1E92  }
0x82: {  	[spmem:s21], [sflag:s18] =	dma.local @!p5 [hbm:s22], $0x400  }
0x83: {  	s18 =	simm.s32 @!p5 $0x12  }
0x84: {  	_ =	swait.ge @!p5 [sflag:s18], $0x400  }
0x85: {  	[sflag:s18] =	ssyncset.done @!p5 $0x0;
	s21 =	rddreg [dreg:$0x15]  }
0x86: {  	s22 =	rddreg [dreg:$0x19];
	[sflag:s18] =	ssyncadd.s32 @!p5 $0xFFFFFC00;
	s18 =	simm.s32 @!p0 $0x1ED2  }
0x87: {  	[spmem:s21], [sflag:s18] =	dma.local @!p0 [hbm:s22], $0x400  }
0x88: {  	s18 =	simm.s32 @!p0 $0x12  }
0x89: {  	_ =	swait.ge @!p0 [sflag:s18], $0x400  }
0x8a: {  	[sflag:s18] =	ssyncset.done @!p0 $0x0;
	s21 =	rddreg [dreg:$0x16]  }
0x8b: {  	s22 =	rddreg [dreg:$0x1c];
	[sflag:s18] =	ssyncadd.s32 @!p0 $0xFFFFFC00;
	s18 =	simm.s32 @!p1 $0x1E12  }
0x8c: {  	[spmem:s21], [sflag:s18] =	dma.local @!p1 [hbm:s22], $0x400  }
0x8d: {  	s18 =	simm.s32 @!p1 $0x12  }
0x8e: {  	_ =	swait.ge @!p1 [sflag:s18], $0x400  }
0x8f: {  	[sflag:s18] =	ssyncset.done @!p1 $0x0;
	s21 =	rddreg [dreg:$0x17]  }
0x90: {  	s22 =	rddreg [dreg:$0x1b];
	[sflag:s18] =	ssyncadd.s32 @!p1 $0xFFFFFC00;
	s18 =	simm.s32 @!p2 $0x1E52  }
0x91: {  	[spmem:s21], [sflag:s18] =	dma.local @!p2 [hbm:s22], $0x400  }
0x92: {  	s18 =	simm.s32 @!p2 $0x12  }
0x93: {  	_ =	swait.ge @!p2 [sflag:s18], $0x400  }
0x94: {  	[sflag:s18] =	ssyncset.done @!p2 $0x0  }
0x95: {  	[sflag:s18] =	ssyncadd.s32 @!p2 $0xFFFFFC00  }
.LBB2_4:
0x96: {  	[bflag:$0x0] =	sbarrier.arrive $0xFFFF  }
0x97: {  	_ =	swait.ge [sflag:s19], $0x200  }
0x98: {  	[sflag:s19] =	ssyncset.done $0x0  }
0x99: {  	s18 =	simm.s32 $0x200;
	[sflag:s19] =	ssyncadd.s32 $0xFFFFFE00  }
0x9a: {  	[tilespmem:s18], [sflag:$0x1] =	stream.indirect.gather [spmem:s2], $0x80, s4, s20, $0xb8;
	[tilespmem:$0x12140] =	vst v63  }
0x9b: {  	s21 =	simm.s32 $0x2200  }
0x9c: {  	[tilespmem:s21], [sflag:$0x2] =	stream.indirect.gather [spmem:s2], $0x80, s20, s20, $0xb8;
	[tilespmem:$0x12140] =	vst v63  }
0x9d: {  	s22 =	simm.s32 $0x80  }
0x9e: {  	[tilespmem:s24], [sflag:$0x3] =	stream.indirect.gather [spmem:s2], $0x80, s22, s20, $0xb8;
	[tilespmem:$0x12140] =	vst v63  }
0x9f: {  	s22 =	simm.s32 $0xC0  }
0xa0: {  	[tilespmem:s26], [sflag:$0x4] =	stream.indirect.gather [spmem:s2], $0x80, s22, s20, $0xb8;
	[tilespmem:$0x12140] =	vst v63  }
0xa1: {  	s22 =	simm.s32 $0x100  }
0xa2: {  	[tilespmem:s29], [sflag:$0x5] =	stream.indirect.gather [spmem:s2], $0x80, s22, s20, $0xb8;
	[tilespmem:$0x12140] =	vst v63  }
0xa3: {  	s22 =	simm.s32 $0x140  }
0xa4: {  	[tilespmem:s31], [sflag:$0x6] =	stream.indirect.gather [spmem:s2], $0x80, s22, s20, $0xb8;
	[tilespmem:$0x12140] =	vst v63  }
0xa5: {  	s22 =	simm.s32 $0x180  }
0xa6: {  	[tilespmem:s0], [sflag:$0x7] =	stream.indirect.gather [spmem:s2], $0x80, s22, s20, $0xb8;
	[tilespmem:$0x12140] =	vst v63  }
0xa7: {  	s22 =	simm.s32 $0x1C0  }
0xa8: {  	[tilespmem:s6], [sflag:$0x8] =	stream.indirect.gather [spmem:s2], $0x80, s22, s20, $0xb8;
	[tilespmem:$0x12140] =	vst v63  }
0xa9: {  	_ =	swait.ge [sflag:s7], $0x2000  }
0xaa: {  	[sflag:s7] =	ssyncset.done $0x0  }
0xab: {  	[sflag:s7] =	ssyncadd.s32 $0xFFFFE000  }
0xac: {  	[hbm4b:s9+s4] =	stream.linear.scatter [tilespmem:s18], [sflag:$0x9], $0x2000, $0x38;
	[tilespmem:$0x12140] =	vst v63  }
0xad: {  	_ =	swait.ge [sflag:s8], $0x2000  }
0xae: {  	s22 =	sld [smem:$0x7F7]  }
0xaf: {  	[sflag:s8] =	ssyncset.done $0x0  }
0xb0: {  	[sflag:s8] =	ssyncadd.s32 $0xFFFFE000  }
0xb1: {  	[hbm4b:s22+s4] =	stream.linear.scatter [tilespmem:s21], [sflag:$0xA], $0x2000, $0x38;
	[tilespmem:$0x12140] =	vst v63  }
0xb2: {  	_ =	swait.ge [sflag:s11], $0x2000  }
0xb3: {  	s21 =	sld [smem:$0x7F8]  }
0xb4: {  	[sflag:s11] =	ssyncset.done $0x0  }
0xb5: {  	[sflag:s11] =	ssyncadd.s32 $0xFFFFE000  }
0xb6: {  	[hbm4b:s21+s4] =	stream.linear.scatter [tilespmem:s24], [sflag:$0xB], $0x2000, $0x38;
	[tilespmem:$0x12140] =	vst v63  }
0xb7: {  	_ =	swait.ge [sflag:s23], $0x2000  }
0xb8: {  	s22 =	sld [smem:$0x7F9]  }
0xb9: {  	[sflag:s23] =	ssyncset.done $0x0  }
0xba: {  	[sflag:s23] =	ssyncadd.s32 $0xFFFFE000  }
0xbb: {  	[hbm4b:s22+s4] =	stream.linear.scatter [tilespmem:s26], [sflag:$0xC], $0x2000, $0x38;
	[tilespmem:$0x12140] =	vst v63  }
0xbc: {  	_ =	swait.ge [sflag:s25], $0x2000  }
0xbd: {  	s21 =	sld [smem:$0x7FA]  }
0xbe: {  	[sflag:s25] =	ssyncset.done $0x0  }
0xbf: {  	[sflag:s25] =	ssyncadd.s32 $0xFFFFE000  }
0xc0: {  	[hbm4b:s21+s4] =	stream.linear.scatter [tilespmem:s29], [sflag:$0xD], $0x2000, $0x38;
	[tilespmem:$0x12140] =	vst v63  }
0xc1: {  	_ =	swait.ge [sflag:s28], $0x2000  }
0xc2: {  	s22 =	sld [smem:$0x7FB]  }
0xc3: {  	[sflag:s28] =	ssyncset.done $0x0  }
0xc4: {  	[sflag:s28] =	ssyncadd.s32 $0xFFFFE000  }
0xc5: {  	[hbm4b:s22+s4] =	stream.linear.scatter [tilespmem:s31], [sflag:$0xE], $0x2000, $0x38;
	[tilespmem:$0x12140] =	vst v63  }
0xc6: {  	_ =	swait.ge [sflag:s30], $0x2000  }
0xc7: {  	s21 =	sld [smem:$0x7FC]  }
0xc8: {  	[sflag:s30] =	ssyncset.done $0x0  }
0xc9: {  	[sflag:s30] =	ssyncadd.s32 $0xFFFFE000  }
0xca: {  	[hbm4b:s21+s4] =	stream.linear.scatter [tilespmem:s0], [sflag:$0xF], $0x2000, $0x38;
	[tilespmem:$0x12140] =	vst v63  }
0xcb: {  	_ =	swait.ge [sflag:s3], $0x2000  }
0xcc: {  	s22 =	sld [smem:$0x7FD]  }
0xcd: {  	[sflag:s3] =	ssyncset.done $0x0  }
0xce: {  	[sflag:s3] =	ssyncadd.s32 $0xFFFFE000  }
0xcf: {  	[hbm4b:s22+s4] =	stream.linear.scatter [tilespmem:s6], [sflag:$0x10], $0x2000, $0x38;
	[tilespmem:$0x12140] =	vst v63  }
0xd0: {  	_ =	swait.ge [sflag:s1], $0x2000  }
0xd1: {  	[sflag:s1] =	ssyncset.done $0x0  }
0xd2: {  	[sflag:s1] =	ssyncadd.s32 $0xFFFFE000  }
0xd3: {  	_ =	swait.ge [sflag:s5], $0x2000  }
0xd4: {  	[sflag:s5] =	ssyncset.done $0x0  }
0xd5: {  	[sflag:s5] =	ssyncadd.s32 $0xFFFFE000  }
0xd6: {  	_ =	swait.ge [sflag:s12], $0x2000  }
0xd7: {  	[sflag:s12] =	ssyncset.done $0x0  }
0xd8: {  	[sflag:s12] =	ssyncadd.s32 $0xFFFFE000  }
0xd9: {  	_ =	swait.ge [sflag:s13], $0x2000  }
0xda: {  	[sflag:s13] =	ssyncset.done $0x0  }
0xdb: {  	[sflag:s13] =	ssyncadd.s32 $0xFFFFE000  }
0xdc: {  	_ =	swait.ge [sflag:s14], $0x2000  }
0xdd: {  	[sflag:s14] =	ssyncset.done $0x0  }
0xde: {  	[sflag:s14] =	ssyncadd.s32 $0xFFFFE000  }
0xdf: {  	_ =	swait.ge [sflag:s15], $0x2000  }
0xe0: {  	[sflag:s15] =	ssyncset.done $0x0  }
0xe1: {  	s10 =	sadd.s32 $0xFFFFFFFF, s10;
	[sflag:s15] =	ssyncadd.s32 $0xFFFFE000  }
0xe2: {  	p3 =	sne.s32 s10, $0x0;
	_ =	swait.ge [sflag:s16], $0x2000  }
.Ltmp1:
0xe3: {  	[sflag:s16] =	ssyncset.done $0x0;
	(pc) =	sbr.rel @!p3 .LBB2_5-.Ltmp1, $4  }
0xe4: {  	[sflag:s16] =	ssyncadd.s32 $0xFFFFE000  }
0xe5: {  	_ =	swait.ge [sflag:s17], $0x2000  }
0xe6: {  	[sflag:s17] =	ssyncset.done $0x0  }
0xe7: {  	[sflag:s17] =	ssyncadd.s32 $0xFFFFE000  }
.LBB2_1:
0xe8: {  	s22 =	sld [smem:$0x7F2];
	_ =	sdelay $0x2  }
0xe9: {  	p3 =	seq.s32 s22, $0x1  }
.Ltmp2:
0xea: {  	_ = 	snop;
	(pc) =	sbr.rel @p3 .LBB2_3-.Ltmp2, $3  }
0xeb: {  	_ =	sdelay $0x1  }
0xec: {  	s18 =	rddreg [dreg:$0x5]  }
0xed: {  	[tilespmem:s4], [sflag:$0x11] =	stream.linear.gather [hbm4b:s18+s4], $0x200, $0x38;
	[tilespmem:$0x12140] =	vst v63  }
0xee: {  	s18 =	sld [smem:$0x7E8];
	_ =	sdelay $0x2  }
0xef: {  	s22 =	rddreg [dreg:$0x1e];
	p3 =	seq.s32 s18, $0x1  }
0xf0: {  	s18 =	rddreg [dreg:$0x9];
	s21 =	simm.s32 @!p3 $0x1D92  }
0xf1: {  	[spmem:s18], [sflag:s21] =	dma.local @!p3 [hbm:s22], $0x400  }
0xf2: {  	s21 =	simm.s32 @!p3 $0x12  }
0xf3: {  	_ =	swait.ge @!p3 [sflag:s21], $0x400  }
0xf4: {  	[sflag:s21] =	ssyncset.done @!p3 $0x0  }
0xf5: {  	[sflag:s21] =	ssyncadd.s32 @!p3 $0xFFFFFC00;
	s21 =	sld [smem:$0x7E9];
	_ =	sdelay $0x2  }
0xf6: {  	s18 =	rddreg [dreg:$0xa];
	p3 =	seq.s32 s21, $0x1  }
0xf7: {  	s22 =	rddreg [dreg:$0x1d];
	s21 =	simm.s32 @!p3 $0x1DD2  }
0xf8: {  	[spmem:s18], [sflag:s21] =	dma.local @!p3 [hbm:s22], $0x400  }
0xf9: {  	s21 =	simm.s32 @!p3 $0x12  }
0xfa: {  	_ =	swait.ge @!p3 [sflag:s21], $0x400  }
0xfb: {  	s22 =	sld [smem:$0x7EA];
	_ =	sdelay $0x1  }
0xfc: {  	[sflag:s21] =	ssyncset.done @!p3 $0x0  }
0xfd: {  	[sflag:s21] =	ssyncadd.s32 @!p3 $0xFFFFFC00;
	p3 =	seq.s32 s22, $0x1;
	s22 =	sld [smem:$0x7F3]  }
0xfe: {  	_ = 	snop  }
0xff: {  	s18 =	rddreg [dreg:$0xb];
	s21 =	simm.s32 @!p3 $0x1D12  }
0x100: {  	[spmem:s18], [sflag:s21] =	dma.local @!p3 [hbm:s22], $0x400  }
0x101: {  	s21 =	simm.s32 @!p3 $0x12  }
0x102: {  	_ =	swait.ge @!p3 [sflag:s21], $0x400  }
0x103: {  	[sflag:s21] =	ssyncset.done @!p3 $0x0  }
0x104: {  	[sflag:s21] =	ssyncadd.s32 @!p3 $0xFFFFFC00;
	s21 =	sld [smem:$0x7EB];
	_ =	sdelay $0x2  }
0x105: {  	s18 =	rddreg [dreg:$0xc];
	p3 =	seq.s32 s21, $0x1  }
0x106: {  	s22 =	rddreg [dreg:$0x1f];
	s21 =	simm.s32 @!p3 $0x1D52  }
0x107: {  	[spmem:s18], [sflag:s21] =	dma.local @!p3 [hbm:s22], $0x400  }
0x108: {  	s21 =	simm.s32 @!p3 $0x12  }
0x109: {  	_ =	swait.ge @!p3 [sflag:s21], $0x400  }
0x10a: {  	s22 =	sld [smem:$0x7EC];
	_ =	sdelay $0x1  }
0x10b: {  	[sflag:s21] =	ssyncset.done @!p3 $0x0  }
0x10c: {  	[sflag:s21] =	ssyncadd.s32 @!p3 $0xFFFFFC00;
	p3 =	seq.s32 s22, $0x1;
	s22 =	sld [smem:$0x7F5]  }
0x10d: {  	_ = 	snop  }
0x10e: {  	s18 =	rddreg [dreg:$0xd];
	s21 =	simm.s32 @!p3 $0x1C92  }
0x10f: {  	[spmem:s18], [sflag:s21] =	dma.local @!p3 [hbm:s22], $0x400  }
0x110: {  	s21 =	simm.s32 @!p3 $0x12  }
0x111: {  	_ =	swait.ge @!p3 [sflag:s21], $0x400  }
0x112: {  	[sflag:s21] =	ssyncset.done @!p3 $0x0  }
0x113: {  	[sflag:s21] =	ssyncadd.s32 @!p3 $0xFFFFFC00;
	s21 =	sld [smem:$0x7ED];
	_ =	sdelay $0x1  }
0x114: {  	s22 =	sld [smem:$0x7F4]  }
0x115: {  	p3 =	seq.s32 s21, $0x1  }
0x116: {  	s18 =	rddreg [dreg:$0xe];
	s21 =	simm.s32 @!p3 $0x1CD2  }
0x117: {  	[spmem:s18], [sflag:s21] =	dma.local @!p3 [hbm:s22], $0x400  }
0x118: {  	s21 =	simm.s32 @!p3 $0x12  }
0x119: {  	_ =	swait.ge @!p3 [sflag:s21], $0x400  }
0x11a: {  	[sflag:s21] =	ssyncset.done @!p3 $0x0  }
0x11b: {  	[sflag:s21] =	ssyncadd.s32 @!p3 $0xFFFFFC00  }
0x11c: {  	s18 =	simm.s32 @!p6 $0x1C12;
	s21 =	sshrl.u32 @!p6 s2, $0x3;
	s22 =	rddreg [dreg:$0x0]  }
0x11d: {  	[spmem:s21], [sflag:s18] =	dma.local @!p6 [hbm:s22], $0x400  }
0x11e: {  	s18 =	simm.s32 @!p6 $0x12  }
0x11f: {  	_ =	swait.ge @!p6 [sflag:s18], $0x400  }
0x120: {  	s22 =	sld [smem:$0x7EE];
	_ =	sdelay $0x2  }
0x121: {  	p3 =	seq.s32 s22, $0x1;
	s22 =	sld [smem:$0x7F6]  }
0x122: {  	[sflag:s18] =	ssyncset.done @!p6 $0x0  }
0x123: {  	s21 =	rddreg [dreg:$0xf];
	[sflag:s18] =	ssyncadd.s32 @!p6 $0xFFFFFC00;
	s18 =	simm.s32 @!p3 $0x1C52  }
0x124: {  	[spmem:s21], [sflag:s18] =	dma.local @!p3 [hbm:s22], $0x400  }
.Ltmp3:
0x125: {  	_ = 	snop;
	(pc) =	sbr.rel .LBB2_4-.Ltmp3, $4  }
0x126: {  	s18 =	simm.s32 @!p3 $0x12  }
0x127: {  	_ =	swait.ge @!p3 [sflag:s18], $0x400  }
0x128: {  	[sflag:s18] =	ssyncset.done @!p3 $0x0  }
0x129: {  	[sflag:s18] =	ssyncadd.s32 @!p3 $0xFFFFFC00  }
.LBB2_5:
0x12a: {  	_ =	sfence.sel $0x180000  }
0x12b: {  	[bflag:$0x0] =	sbarrier.arrive $0xFFFF  }
0x12c: {  	_ =	strace $0x90000047  }
0x12d: {  	s0 =	stileid.u32;
	[bflag:$0x2] =	sbarrier.arrive $0xFFFF  }
0x12e: {  	p0 =	sne.s32 s0, $0x0;
	s0 =	rddreg [dreg:$0x4]  }
0x12f: {  	s0 =	sadd.s32 @!p0 $0x100000, s0  }
0x130: {  	[sflag:s0] =	ssyncadd.tile.s32 @!p0 $0x1;
	_ =	shalt  }
.Lfunc_end2:
_tile_overlayer_lowered:
.L_overlay_start_2:
0x131: {  	(tag) =	ssettag $0x2  }
0x132: {  	s0 =	rddreg [dreg:$0x0];
	s2 =	stileid.u32  }
0x133: {  	s1 =	rddreg [dreg:$0x1];
	p0 =	sne.s32 s2, $0x0  }
0x134: {  	s3 =	rddreg [dreg:$0x2];
	[bflag:$0x3] =	sbarrier.arrive $0xFFFF;
	s2 =	simm.s32 @!p0 $0x1C12  }
0x135: {  	[timem:s3], [sflag:s2] =	dma.local @!p0 [hbm:s0], s1  }
0x136: {  	s0 =	simm.s32 @!p0 $0x12  }
0x137: {  	_ =	swait.ge @!p0 [sflag:s0], s1  }
0x138: {  	s1 =	ssub.s32 @!p0 $0x0, s1;
	[sflag:s0] =	ssyncset.done @!p0 $0x0  }
0x139: {  	[sflag:s0] =	ssyncadd.s32 @!p0 s1  }
0x13a: {  	[bflag:$0x3] =	sbarrier.arrive $0xFFFF  }
0x13b: {  	_ =	shalt  }

</sc_bundles>
